<compile_context>
chip_gen: v7x
topology: tpu7x:2x2x1
jax: 0.10.2.dev20260603
libtpu: 0.0.44.dev20260713+nightly
codegen_flags: <defaults>
</compile_context>

<pallas_src>
import functools

import jax
import jax.numpy as jnp
from jax import lax
from jax.experimental import pallas as pl
from jax.experimental.pallas import tpu as pltpu
from jax.experimental.pallas import tpu_sc as plsc

B = 16384
D_DENSE = 13
F = 26
V = 100000
E = 16

NC = 2
NS = 16
NW = NC * NS
CHUNK = 128
BPW = B // NW
BCH = BPW // CHUNK
JT = 4
OUT_ROWS = JT * B * 8


def _sc_gather_body(cats_hbm, tables_hbm, out_hbm, cats_v, idx_v, dst_v,
                    rows_v, sem_g, sem_s):
    wid = lax.axis_index("s") * NC + lax.axis_index("c")
    b0 = wid * BPW
    lane = lax.iota(jnp.int32, 16)

    pltpu.sync_copy(cats_hbm.at[pl.ds(b0, BPW)], cats_v)

    def f_body(f, carry):
        jbase = lax.div(f, 8) * (B * 8) + lax.rem(f, 8)
        fvec = jnp.broadcast_to(f, (16,))
        for c in range(BCH):
            for l in range(CHUNK // 16):
                bl = c * CHUNK + l * 16 + lane
                cval = plsc.load_gather(cats_v, [bl, fvec])
                idx_v[c, pl.ds(l * 16, 16)] = cval
                dst_v[c, pl.ds(l * 16, 16)] = (b0 + bl) * 8 + jbase
        hs = [
            pltpu.async_copy(
                tables_hbm.at[f].at[idx_v.at[c]],
                rows_v.at[pl.ds(c * CHUNK, CHUNK)],
                sem_g,
            )
            for c in range(BCH)
        ]
        for h in hs:
            h.wait()
        ss = [
            pltpu.async_copy(
                rows_v.at[pl.ds(c * CHUNK, CHUNK)],
                out_hbm.at[dst_v.at[c]],
                sem_s,
            )
            for c in range(BCH)
        ]
        for s in ss:
            s.wait()
        return carry

    lax.fori_loop(0, F, f_body, 0)


@functools.cache
def _sc_gather():
    return pl.kernel(
        _sc_gather_body,
        out_type=jax.ShapeDtypeStruct((OUT_ROWS, E), jnp.float32),
        mesh=plsc.VectorSubcoreMesh(
            core_axis_name="c", subcore_axis_name="s",
            num_cores=NC, num_subcores=NS),
        scratch_types=[
            pltpu.VMEM((BPW, CHUNK), jnp.int32),
            pltpu.VMEM((BCH, CHUNK), jnp.int32),
            pltpu.VMEM((BCH, CHUNK), jnp.int32),
            pltpu.VMEM((BPW, E), jnp.float32),
            pltpu.SemaphoreType.DMA,
            pltpu.SemaphoreType.DMA,
        ],
        compiler_params=pltpu.CompilerParams(
            use_tc_tiling_on_sc=False, needs_layout_passes=False),
    )


BB = 2048


def _mlp_body(xd_ref, xe_ref, w1d_ref, w1e_ref, b1_ref, w2_ref, b2_ref,
              w3_ref, b3_ref, w4_ref, b4_ref, wld_ref, wle_ref, bl_ref,
              out_ref):
    f32 = jnp.float32

    def dot(a, b):
        return jnp.dot(a, b, preferred_element_type=f32)

    xd = xd_ref[...]
    col = lax.broadcasted_iota(jnp.int32, (BB, 128), 1)
    h = dot(xd, w1d_ref[...]) + b1_ref[...]
    y_lin = dot(xd, wld_ref[...]) + bl_ref[...]
    for j in range(JT):
        xj = xe_ref[j]
        if j == JT - 1:
            xj = jnp.where(col < (F % 8) * E, xj, 0.0)
        h = h + dot(xj, w1e_ref[j * 128:(j + 1) * 128, :])
        y_lin = y_lin + dot(xj, wle_ref[j * 128:(j + 1) * 128, :])
    h = jnp.maximum(h, 0.0)
    h = jnp.maximum(dot(h, w2_ref[...]) + b2_ref[...], 0.0)
    h = jnp.maximum(dot(h, w3_ref[...]) + b3_ref[...], 0.0)
    y_deep = dot(h, w4_ref[...]) + b4_ref[...]
    out_ref[...] = jax.nn.sigmoid(y_lin + y_deep)


def _full(shape):
    return pl.BlockSpec(shape, lambda i: (0, 0))


def kernel(dense, cats, tables, W_lin, b_lin, W1, b1, W2, b2, W3, b3, W4, b4):
    cats_pad = jnp.pad(cats, ((0, 0), (0, CHUNK - F)))
    emb = _sc_gather()(cats_pad, tables)
    xe = emb.reshape(JT, B, 128)

    w1d, w1e = W1[:D_DENSE], W1[D_DENSE:]
    wld, wle = W_lin[:D_DENSE], W_lin[D_DENSE:]
    pad = ((0, JT * 128 - F * E), (0, 0))
    w1e = jnp.pad(w1e, pad)
    wle = jnp.pad(wle, pad)

    mlp = pl.pallas_call(
        _mlp_body,
        grid=(B // BB,),
        in_specs=[
            pl.BlockSpec((BB, D_DENSE), lambda i: (i, 0)),
            pl.BlockSpec((JT, BB, 128), lambda i: (0, i, 0)),
            _full((D_DENSE, 256)), _full((JT * 128, 256)), _full((1, 256)),
            _full((256, 128)), _full((1, 128)),
            _full((128, 64)), _full((1, 64)),
            _full((64, 1)), _full((1, 1)),
            _full((D_DENSE, 1)), _full((JT * 128, 1)), _full((1, 1)),
        ],
        out_specs=pl.BlockSpec((BB, 1), lambda i: (i, 0)),
        out_shape=jax.ShapeDtypeStruct((B, 1), jnp.float32),
    )
    return mlp(dense, xe,
               w1d, w1e, b1.reshape(1, -1),
               W2, b2.reshape(1, -1),
               W3, b3.reshape(1, -1),
               W4, b4.reshape(1, -1),
               wld, wle, b_lin.reshape(1, -1))

# --- scband reference (transcript-rebuilt; emitter-appended) ---
"""Pipeline reference for scband-deep-fm-61795989454875 (READ-ONLY COPY).

The authoritative reference and input builder live on the scoring server;
editing this copy changes nothing except your own understanding.
"""

import jax, jax.numpy as jnp
import numpy as np

B = 16384
D_DENSE = 13
N_FIELDS = 26
VOCAB = 100000
EMB = 16
FM_IN = D_DENSE + N_FIELDS * EMB  # 429
MLP = [256, 128, 64]


def _dense_params(key, fan_in, fan_out):
    k1, k2 = jax.random.split(key)
    bound = 1.0 / np.sqrt(fan_in)
    W = jax.random.uniform(k1, (fan_in, fan_out), jnp.float32, -bound, bound)
    b = jax.random.uniform(k2, (fan_out,), jnp.float32, -bound, bound)
    return W, b


def setup_inputs(seed: int = 0) -> dict:
    key = jax.random.key(seed)
    ks = jax.random.split(key, 8)
    dense = jax.random.normal(ks[0], (B, D_DENSE), jnp.float32)
    cats = jax.random.randint(ks[1], (B, N_FIELDS), 0, VOCAB, dtype=jnp.int32)
    # stacked embedding tables, one per sparse field (nn.Embedding default: N(0,1))
    tables = jax.random.normal(ks[2], (N_FIELDS, VOCAB, EMB), jnp.float32)
    W_lin, b_lin = _dense_params(ks[3], FM_IN, 1)
    W1, b1 = _dense_params(ks[4], FM_IN, MLP[0])
    W2, b2 = _dense_params(ks[5], MLP[0], MLP[1])
    W3, b3 = _dense_params(ks[6], MLP[1], MLP[2])
    W4, b4 = _dense_params(ks[7], MLP[2], 1)
    return {
        'dense': dense, 'cats': cats, 'tables': tables,
        'W_lin': W_lin, 'b_lin': b_lin,
        'W1': W1, 'b1': b1, 'W2': W2, 'b2': b2,
        'W3': W3, 'b3': b3, 'W4': W4, 'b4': b4,
    }


def reference(dense, cats, tables, W_lin, b_lin, W1, b1, W2, b2, W3, b3, W4, b4):
    # per-field embedding lookup: tables[i][cats[:, i]] for each of the 26 fields
    emb = jax.vmap(lambda t, c: jnp.take(t, c, axis=0), in_axes=(0, 1), out_axes=1)(tables, cats)  # [B, F, EMB]
    x = jnp.concatenate([dense, emb.reshape(emb.shape[0], -1)], axis=1)  # [B, FM_IN]
    y_linear = x @ W_lin + b_lin
    h = jax.nn.relu(x @ W1 + b1)
    h = jax.nn.relu(h @ W2 + b2)
    h = jax.nn.relu(h @ W3 + b3)
    y_deep = h @ W4 + b4
    return jax.nn.sigmoid(y_linear + y_deep)

if __name__ == "__main__":
    import jax
    _d = setup_inputs()
    print(jax.jit(kernel)(*tuple(_d.values())))

</pallas_src>

<mosaic_0001>
#map = affine_map<(d0, d1) -> (0, 0)>
#map1 = affine_map<(d0, d1) -> (0, 0, 0)>
module attributes {stable_mosaic.version = 14 : i64} {
  func.func @_sc_gather_body(%arg0: i32, %arg1: i32, %arg2: memref<16384x128xi32, #tpu.memory_space<hbm>>, %arg3: memref<26x100000x16xf32, #tpu.memory_space<hbm>>, %arg4: memref<524288x16xf32, #tpu.memory_space<hbm>>, %arg5: memref<512x128xi32, #tpu.memory_space<vmem>>, %arg6: memref<4x128xi32, #tpu.memory_space<vmem>>, %arg7: memref<4x128xi32, #tpu.memory_space<vmem>>, %arg8: memref<512x16xf32, #tpu.memory_space<vmem>>, %arg9: memref<!tpu.dma_semaphore, #tpu.memory_space<semaphore_mem>>, %arg10: memref<!tpu.dma_semaphore, #tpu.memory_space<semaphore_mem>>) attributes {dimension_semantics = [#tpu.dimension_semantics<core_parallel>, #tpu.dimension_semantics<subcore_parallel>], iteration_bounds = array<i64: 2, 16>, scalar_prefetch = 0 : i64, scratch_operands = 6 : i64, tpu.core_type = #tpu.core_type<sc_vector_subcore>, window_params = [{transform_indices = #map}, {transform_indices = #map1}, {transform_indices = #map}]} {
    %mul3A = arith.constant 2 : i32
    %mul3A_0 = arith.muli %arg1, %mul3A : i32
    %add3A = arith.addi %mul3A_0, %arg0 : i32
    %mul3A_1 = arith.constant 512 : i32
    %mul3A_2 = arith.muli %add3A, %mul3A_1 : i32
    %iota3A = tpu.iota {dimensions = array<i32: 0>} : vector<16xi32>
    "tpu.region"() ({
      %run_scoped3A = tpu.sem_alloc : memref<!tpu.dma_semaphore, #tpu.memory_space<semaphore_mem>>
      %dma_start3A = arith.constant 0 : i32
      %dma_start3A_8 = tpu.memref_slice %arg2[%mul3A_2, %dma_start3A] : memref<16384x128xi32, #tpu.memory_space<hbm>> -> memref<512x128xi32, #tpu.memory_space<hbm>>
      %dma_start3A_9 = arith.constant 0 : i32
      %dma_start3A_10 = tpu.memref_slice %arg2[%mul3A_2, %dma_start3A_9] : memref<16384x128xi32, #tpu.memory_space<hbm>> -> memref<512x128xi32, #tpu.memory_space<hbm>>
      tpu.enqueue_dma source(%dma_start3A_10 : memref<512x128xi32, #tpu.memory_space<hbm>>) target(%arg5 : memref<512x128xi32, #tpu.memory_space<vmem>>) target_semaphore(%run_scoped3A : memref<!tpu.dma_semaphore, #tpu.memory_space<semaphore_mem>>)
      %dma_wait3A = arith.constant 0 : i32
      %dma_wait3A_11 = tpu.memref_slice %arg2[%mul3A_2, %dma_wait3A] : memref<16384x128xi32, #tpu.memory_space<hbm>> -> memref<512x128xi32, #tpu.memory_space<hbm>>
      %dma_wait3A_12 = arith.constant 0 : i32
      %dma_wait3A_13 = tpu.memref_slice %arg2[%mul3A_2, %dma_wait3A_12] : memref<16384x128xi32, #tpu.memory_space<hbm>> -> memref<512x128xi32, #tpu.memory_space<hbm>>
      tpu.wait_dma2 semaphore(%run_scoped3A : memref<!tpu.dma_semaphore, #tpu.memory_space<semaphore_mem>>) src(%dma_wait3A_13 : memref<512x128xi32, #tpu.memory_space<hbm>>) dst(%arg5 : memref<512x128xi32, #tpu.memory_space<vmem>>)
      tpu.yield
    }) : () -> ()
    %scan3A = arith.constant 0 : i32
    %scan3A_3 = arith.constant 0 : i32
    %scan3A_4 = arith.constant 26 : i32
    %scan3A_5 = arith.addi %scan3A_3, %scan3A_4 : i32
    %scan3A_6 = arith.constant 1 : i32
    scf.for %scan3A_8 = %scan3A_3 to %scan3A_5 step %scan3A_6  : i32 {
      %div3A = arith.constant 8 : i32
      %div3A_9 = arith.divsi %scan3A_8, %div3A : i32
      %mul3A_10 = arith.constant 131072 : i32
      %mul3A_11 = arith.muli %div3A_9, %mul3A_10 : i32
      %rem3A = arith.constant 8 : i32
      %rem3A_12 = arith.remsi %scan3A_8, %rem3A : i32
      %add3A_13 = arith.addi %mul3A_11, %rem3A_12 : i32
      %broadcast_in_dim3A = vector.broadcast %scan3A_8 : i32 to vector<16xi32>
      %add3A_14 = arith.constant 0 : i32
      %add3A_15 = vector.broadcast %add3A_14 : i32 to vector<16xi32>
      %add3A_16 = arith.addi %add3A_15, %iota3A : vector<16xi32>
      %gather3A = tpu.vector_load_idx %arg5[%add3A_16, %broadcast_in_dim3A] : memref<512x128xi32, #tpu.memory_space<vmem>>[vector<16xi32>, vector<16xi32>], vector<16xi32>,
      %swap3A = arith.constant 0 : i32
      %swap3A_17 = arith.index_cast %swap3A : i32 to index
      %swap3A_18 = arith.constant 0 : index
      %swap3A_19 = tpu.vector_load %arg6[%swap3A_17, %swap3A_18] {strides = array<i32>} : memref<4x128xi32, #tpu.memory_space<vmem>>, vector<16xi32>,
      tpu.vector_store %arg6[%swap3A_17, %swap3A_18], %gather3A {strides = array<i32>} : memref<4x128xi32, #tpu.memory_space<vmem>>, vector<16xi32>,
      %add3A_20 = vector.broadcast %mul3A_2 : i32 to vector<16xi32>
      %add3A_21 = arith.addi %add3A_20, %add3A_16 : vector<16xi32>
      %mul3A_22 = arith.constant 8 : i32
      %mul3A_23 = vector.broadcast %mul3A_22 : i32 to vector<16xi32>
      %mul3A_24 = arith.muli %add3A_21, %mul3A_23 : vector<16xi32>
      %add3A_25 = vector.broadcast %add3A_13 : i32 to vector<16xi32>
      %add3A_26 = arith.addi %mul3A_24, %add3A_25 : vector<16xi32>
      %swap3A_27 = arith.constant 0 : i32
      %swap3A_28 = arith.index_cast %swap3A_27 : i32 to index
      %swap3A_29 = arith.constant 0 : index
      %swap3A_30 = tpu.vector_load %arg7[%swap3A_28, %swap3A_29] {strides = array<i32>} : memref<4x128xi32, #tpu.memory_space<vmem>>, vector<16xi32>,
      tpu.vector_store %arg7[%swap3A_28, %swap3A_29], %add3A_26 {strides = array<i32>} : memref<4x128xi32, #tpu.memory_space<vmem>>, vector<16xi32>,
      %add3A_31 = arith.constant 16 : i32
      %add3A_32 = vector.broadcast %add3A_31 : i32 to vector<16xi32>
      %add3A_33 = arith.addi %add3A_32, %iota3A : vector<16xi32>
      %gather3A_34 = tpu.vector_load_idx %arg5[%add3A_33, %broadcast_in_dim3A] : memref<512x128xi32, #tpu.memory_space<vmem>>[vector<16xi32>, vector<16xi32>], vector<16xi32>,
      %swap3A_35 = arith.constant 0 : i32
      %swap3A_36 = arith.index_cast %swap3A_35 : i32 to index
      %swap3A_37 = arith.constant 16 : index
      %swap3A_38 = tpu.vector_load %arg6[%swap3A_36, %swap3A_37] {strides = array<i32>} : memref<4x128xi32, #tpu.memory_space<vmem>>, vector<16xi32>,
      tpu.vector_store %arg6[%swap3A_36, %swap3A_37], %gather3A_34 {strides = array<i32>} : memref<4x128xi32, #tpu.memory_space<vmem>>, vector<16xi32>,
      %add3A_39 = vector.broadcast %mul3A_2 : i32 to vector<16xi32>
      %add3A_40 = arith.addi %add3A_39, %add3A_33 : vector<16xi32>
      %mul3A_41 = arith.constant 8 : i32
      %mul3A_42 = vector.broadcast %mul3A_41 : i32 to vector<16xi32>
      %mul3A_43 = arith.muli %add3A_40, %mul3A_42 : vector<16xi32>
      %add3A_44 = vector.broadcast %add3A_13 : i32 to vector<16xi32>
      %add3A_45 = arith.addi %mul3A_43, %add3A_44 : vector<16xi32>
      %swap3A_46 = arith.constant 0 : i32
      %swap3A_47 = arith.index_cast %swap3A_46 : i32 to index
      %swap3A_48 = arith.constant 16 : index
      %swap3A_49 = tpu.vector_load %arg7[%swap3A_47, %swap3A_48] {strides = array<i32>} : memref<4x128xi32, #tpu.memory_space<vmem>>, vector<16xi32>,
      tpu.vector_store %arg7[%swap3A_47, %swap3A_48], %add3A_45 {strides = array<i32>} : memref<4x128xi32, #tpu.memory_space<vmem>>, vector<16xi32>,
      %add3A_50 = arith.constant 32 : i32
      %add3A_51 = vector.broadcast %add3A_50 : i32 to vector<16xi32>
      %add3A_52 = arith.addi %add3A_51, %iota3A : vector<16xi32>
      %gather3A_53 = tpu.vector_load_idx %arg5[%add3A_52, %broadcast_in_dim3A] : memref<512x128xi32, #tpu.memory_space<vmem>>[vector<16xi32>, vector<16xi32>], vector<16xi32>,
      %swap3A_54 = arith.constant 0 : i32
      %swap3A_55 = arith.index_cast %swap3A_54 : i32 to index
      %swap3A_56 = arith.constant 32 : index
      %swap3A_57 = tpu.vector_load %arg6[%swap3A_55, %swap3A_56] {strides = array<i32>} : memref<4x128xi32, #tpu.memory_space<vmem>>, vector<16xi32>,
      tpu.vector_store %arg6[%swap3A_55, %swap3A_56], %gather3A_53 {strides = array<i32>} : memref<4x128xi32, #tpu.memory_space<vmem>>, vector<16xi32>,
      %add3A_58 = vector.broadcast %mul3A_2 : i32 to vector<16xi32>
      %add3A_59 = arith.addi %add3A_58, %add3A_52 : vector<16xi32>
      %mul3A_60 = arith.constant 8 : i32
      %mul3A_61 = vector.broadcast %mul3A_60 : i32 to vector<16xi32>
      %mul3A_62 = arith.muli %add3A_59, %mul3A_61 : vector<16xi32>
      %add3A_63 = vector.broadcast %add3A_13 : i32 to vector<16xi32>
      %add3A_64 = arith.addi %mul3A_62, %add3A_63 : vector<16xi32>
      %swap3A_65 = arith.constant 0 : i32
      %swap3A_66 = arith.index_cast %swap3A_65 : i32 to index
      %swap3A_67 = arith.constant 32 : index
      %swap3A_68 = tpu.vector_load %arg7[%swap3A_66, %swap3A_67] {strides = array<i32>} : memref<4x128xi32, #tpu.memory_space<vmem>>, vector<16xi32>,
      tpu.vector_store %arg7[%swap3A_66, %swap3A_67], %add3A_64 {strides = array<i32>} : memref<4x128xi32, #tpu.memory_space<vmem>>, vector<16xi32>,
      %add3A_69 = arith.constant 48 : i32
      %add3A_70 = vector.broadcast %add3A_69 : i32 to vector<16xi32>
      %add3A_71 = arith.addi %add3A_70, %iota3A : vector<16xi32>
      %gather3A_72 = tpu.vector_load_idx %arg5[%add3A_71, %broadcast_in_dim3A] : memref<512x128xi32, #tpu.memory_space<vmem>>[vector<16xi32>, vector<16xi32>], vector<16xi32>,
      %swap3A_73 = arith.constant 0 : i32
      %swap3A_74 = arith.index_cast %swap3A_73 : i32 to index
      %swap3A_75 = arith.constant 48 : index
      %swap3A_76 = tpu.vector_load %arg6[%swap3A_74, %swap3A_75] {strides = array<i32>} : memref<4x128xi32, #tpu.memory_space<vmem>>, vector<16xi32>,
      tpu.vector_store %arg6[%swap3A_74, %swap3A_75], %gather3A_72 {strides = array<i32>} : memref<4x128xi32, #tpu.memory_space<vmem>>, vector<16xi32>,
      %add3A_77 = vector.broadcast %mul3A_2 : i32 to vector<16xi32>
      %add3A_78 = arith.addi %add3A_77, %add3A_71 : vector<16xi32>
      %mul3A_79 = arith.constant 8 : i32
      %mul3A_80 = vector.broadcast %mul3A_79 : i32 to vector<16xi32>
      %mul3A_81 = arith.muli %add3A_78, %mul3A_80 : vector<16xi32>
      %add3A_82 = vector.broadcast %add3A_13 : i32 to vector<16xi32>
      %add3A_83 = arith.addi %mul3A_81, %add3A_82 : vector<16xi32>
      %swap3A_84 = arith.constant 0 : i32
      %swap3A_85 = arith.index_cast %swap3A_84 : i32 to index
      %swap3A_86 = arith.constant 48 : index
      %swap3A_87 = tpu.vector_load %arg7[%swap3A_85, %swap3A_86] {strides = array<i32>} : memref<4x128xi32, #tpu.memory_space<vmem>>, vector<16xi32>,
      tpu.vector_store %arg7[%swap3A_85, %swap3A_86], %add3A_83 {strides = array<i32>} : memref<4x128xi32, #tpu.memory_space<vmem>>, vector<16xi32>,
      %add3A_88 = arith.constant 64 : i32
      %add3A_89 = vector.broadcast %add3A_88 : i32 to vector<16xi32>
      %add3A_90 = arith.addi %add3A_89, %iota3A : vector<16xi32>
      %gather3A_91 = tpu.vector_load_idx %arg5[%add3A_90, %broadcast_in_dim3A] : memref<512x128xi32, #tpu.memory_space<vmem>>[vector<16xi32>, vector<16xi32>], vector<16xi32>,
      %swap3A_92 = arith.constant 0 : i32
      %swap3A_93 = arith.index_cast %swap3A_92 : i32 to index
      %swap3A_94 = arith.constant 64 : index
      %swap3A_95 = tpu.vector_load %arg6[%swap3A_93, %swap3A_94] {strides = array<i32>} : memref<4x128xi32, #tpu.memory_space<vmem>>, vector<16xi32>,
      tpu.vector_store %arg6[%swap3A_93, %swap3A_94], %gather3A_91 {strides = array<i32>} : memref<4x128xi32, #tpu.memory_space<vmem>>, vector<16xi32>,
      %add3A_96 = vector.broadcast %mul3A_2 : i32 to vector<16xi32>
      %add3A_97 = arith.addi %add3A_96, %add3A_90 : vector<16xi32>
      %mul3A_98 = arith.constant 8 : i32
      %mul3A_99 = vector.broadcast %mul3A_98 : i32 to vector<16xi32>
      %mul3A_100 = arith.muli %add3A_97, %mul3A_99 : vector<16xi32>
      %add3A_101 = vector.broadcast %add3A_13 : i32 to vector<16xi32>
      %add3A_102 = arith.addi %mul3A_100, %add3A_101 : vector<16xi32>
      %swap3A_103 = arith.constant 0 : i32
      %swap3A_104 = arith.index_cast %swap3A_103 : i32 to index
      %swap3A_105 = arith.constant 64 : index
      %swap3A_106 = tpu.vector_load %arg7[%swap3A_104, %swap3A_105] {strides = array<i32>} : memref<4x128xi32, #tpu.memory_space<vmem>>, vector<16xi32>,
      tpu.vector_store %arg7[%swap3A_104, %swap3A_105], %add3A_102 {strides = array<i32>} : memref<4x128xi32, #tpu.memory_space<vmem>>, vector<16xi32>,
      %add3A_107 = arith.constant 80 : i32
      %add3A_108 = vector.broadcast %add3A_107 : i32 to vector<16xi32>
      %add3A_109 = arith.addi %add3A_108, %iota3A : vector<16xi32>
      %gather3A_110 = tpu.vector_load_idx %arg5[%add3A_109, %broadcast_in_dim3A] : memref<512x128xi32, #tpu.memory_space<vmem>>[vector<16xi32>, vector<16xi32>], vector<16xi32>,
      %swap3A_111 = arith.constant 0 : i32
      %swap3A_112 = arith.index_cast %swap3A_111 : i32 to index
      %swap3A_113 = arith.constant 80 : index
      %swap3A_114 = tpu.vector_load %arg6[%swap3A_112, %swap3A_113] {strides = array<i32>} : memref<4x128xi32, #tpu.memory_space<vmem>>, vector<16xi32>,
      tpu.vector_store %arg6[%swap3A_112, %swap3A_113], %gather3A_110 {strides = array<i32>} : memref<4x128xi32, #tpu.memory_space<vmem>>, vector<16xi32>,
      %add3A_115 = vector.broadcast %mul3A_2 : i32 to vector<16xi32>
      %add3A_116 = arith.addi %add3A_115, %add3A_109 : vector<16xi32>
      %mul3A_117 = arith.constant 8 : i32
      %mul3A_118 = vector.broadcast %mul3A_117 : i32 to vector<16xi32>
      %mul3A_119 = arith.muli %add3A_116, %mul3A_118 : vector<16xi32>
      %add3A_120 = vector.broadcast %add3A_13 : i32 to vector<16xi32>
      %add3A_121 = arith.addi %mul3A_119, %add3A_120 : vector<16xi32>
      %swap3A_122 = arith.constant 0 : i32
      %swap3A_123 = arith.index_cast %swap3A_122 : i32 to index
      %swap3A_124 = arith.constant 80 : index
      %swap3A_125 = tpu.vector_load %arg7[%swap3A_123, %swap3A_124] {strides = array<i32>} : memref<4x128xi32, #tpu.memory_space<vmem>>, vector<16xi32>,
      tpu.vector_store %arg7[%swap3A_123, %swap3A_124], %add3A_121 {strides = array<i32>} : memref<4x128xi32, #tpu.memory_space<vmem>>, vector<16xi32>,
      %add3A_126 = arith.constant 96 : i32
      %add3A_127 = vector.broadcast %add3A_126 : i32 to vector<16xi32>
      %add3A_128 = arith.addi %add3A_127, %iota3A : vector<16xi32>
      %gather3A_129 = tpu.vector_load_idx %arg5[%add3A_128, %broadcast_in_dim3A] : memref<512x128xi32, #tpu.memory_space<vmem>>[vector<16xi32>, vector<16xi32>], vector<16xi32>,
      %swap3A_130 = arith.constant 0 : i32
      %swap3A_131 = arith.index_cast %swap3A_130 : i32 to index
      %swap3A_132 = arith.constant 96 : index
      %swap3A_133 = tpu.vector_load %arg6[%swap3A_131, %swap3A_132] {strides = array<i32>} : memref<4x128xi32, #tpu.memory_space<vmem>>, vector<16xi32>,
      tpu.vector_store %arg6[%swap3A_131, %swap3A_132], %gather3A_129 {strides = array<i32>} : memref<4x128xi32, #tpu.memory_space<vmem>>, vector<16xi32>,
      %add3A_134 = vector.broadcast %mul3A_2 : i32 to vector<16xi32>
      %add3A_135 = arith.addi %add3A_134, %add3A_128 : vector<16xi32>
      %mul3A_136 = arith.constant 8 : i32
      %mul3A_137 = vector.broadcast %mul3A_136 : i32 to vector<16xi32>
      %mul3A_138 = arith.muli %add3A_135, %mul3A_137 : vector<16xi32>
      %add3A_139 = vector.broadcast %add3A_13 : i32 to vector<16xi32>
      %add3A_140 = arith.addi %mul3A_138, %add3A_139 : vector<16xi32>
      %swap3A_141 = arith.constant 0 : i32
      %swap3A_142 = arith.index_cast %swap3A_141 : i32 to index
      %swap3A_143 = arith.constant 96 : index
      %swap3A_144 = tpu.vector_load %arg7[%swap3A_142, %swap3A_143] {strides = array<i32>} : memref<4x128xi32, #tpu.memory_space<vmem>>, vector<16xi32>,
      tpu.vector_store %arg7[%swap3A_142, %swap3A_143], %add3A_140 {strides = array<i32>} : memref<4x128xi32, #tpu.memory_space<vmem>>, vector<16xi32>,
      %add3A_145 = arith.constant 112 : i32
      %add3A_146 = vector.broadcast %add3A_145 : i32 to vector<16xi32>
      %add3A_147 = arith.addi %add3A_146, %iota3A : vector<16xi32>
      %gather3A_148 = tpu.vector_load_idx %arg5[%add3A_147, %broadcast_in_dim3A] : memref<512x128xi32, #tpu.memory_space<vmem>>[vector<16xi32>, vector<16xi32>], vector<16xi32>,
      %swap3A_149 = arith.constant 0 : i32
      %swap3A_150 = arith.index_cast %swap3A_149 : i32 to index
      %swap3A_151 = arith.constant 112 : index
      %swap3A_152 = tpu.vector_load %arg6[%swap3A_150, %swap3A_151] {strides = array<i32>} : memref<4x128xi32, #tpu.memory_space<vmem>>, vector<16xi32>,
      tpu.vector_store %arg6[%swap3A_150, %swap3A_151], %gather3A_148 {strides = array<i32>} : memref<4x128xi32, #tpu.memory_space<vmem>>, vector<16xi32>,
      %add3A_153 = vector.broadcast %mul3A_2 : i32 to vector<16xi32>
      %add3A_154 = arith.addi %add3A_153, %add3A_147 : vector<16xi32>
      %mul3A_155 = arith.constant 8 : i32
      %mul3A_156 = vector.broadcast %mul3A_155 : i32 to vector<16xi32>
      %mul3A_157 = arith.muli %add3A_154, %mul3A_156 : vector<16xi32>
      %add3A_158 = vector.broadcast %add3A_13 : i32 to vector<16xi32>
      %add3A_159 = arith.addi %mul3A_157, %add3A_158 : vector<16xi32>
      %swap3A_160 = arith.constant 0 : i32
      %swap3A_161 = arith.index_cast %swap3A_160 : i32 to index
      %swap3A_162 = arith.constant 112 : index
      %swap3A_163 = tpu.vector_load %arg7[%swap3A_161, %swap3A_162] {strides = array<i32>} : memref<4x128xi32, #tpu.memory_space<vmem>>, vector<16xi32>,
      tpu.vector_store %arg7[%swap3A_161, %swap3A_162], %add3A_159 {strides = array<i32>} : memref<4x128xi32, #tpu.memory_space<vmem>>, vector<16xi32>,
      %add3A_164 = arith.constant 128 : i32
      %add3A_165 = vector.broadcast %add3A_164 : i32 to vector<16xi32>
      %add3A_166 = arith.addi %add3A_165, %iota3A : vector<16xi32>
      %gather3A_167 = tpu.vector_load_idx %arg5[%add3A_166, %broadcast_in_dim3A] : memref<512x128xi32, #tpu.memory_space<vmem>>[vector<16xi32>, vector<16xi32>], vector<16xi32>,
      %swap3A_168 = arith.constant 1 : i32
      %swap3A_169 = arith.index_cast %swap3A_168 : i32 to index
      %swap3A_170 = arith.constant 0 : index
      %swap3A_171 = tpu.vector_load %arg6[%swap3A_169, %swap3A_170] {strides = array<i32>} : memref<4x128xi32, #tpu.memory_space<vmem>>, vector<16xi32>,
      tpu.vector_store %arg6[%swap3A_169, %swap3A_170], %gather3A_167 {strides = array<i32>} : memref<4x128xi32, #tpu.memory_space<vmem>>, vector<16xi32>,
      %add3A_172 = vector.broadcast %mul3A_2 : i32 to vector<16xi32>
      %add3A_173 = arith.addi %add3A_172, %add3A_166 : vector<16xi32>
      %mul3A_174 = arith.constant 8 : i32
      %mul3A_175 = vector.broadcast %mul3A_174 : i32 to vector<16xi32>
      %mul3A_176 = arith.muli %add3A_173, %mul3A_175 : vector<16xi32>
      %add3A_177 = vector.broadcast %add3A_13 : i32 to vector<16xi32>
      %add3A_178 = arith.addi %mul3A_176, %add3A_177 : vector<16xi32>
      %swap3A_179 = arith.constant 1 : i32
      %swap3A_180 = arith.index_cast %swap3A_179 : i32 to index
      %swap3A_181 = arith.constant 0 : index
      %swap3A_182 = tpu.vector_load %arg7[%swap3A_180, %swap3A_181] {strides = array<i32>} : memref<4x128xi32, #tpu.memory_space<vmem>>, vector<16xi32>,
      tpu.vector_store %arg7[%swap3A_180, %swap3A_181], %add3A_178 {strides = array<i32>} : memref<4x128xi32, #tpu.memory_space<vmem>>, vector<16xi32>,
      %add3A_183 = arith.constant 144 : i32
      %add3A_184 = vector.broadcast %add3A_183 : i32 to vector<16xi32>
      %add3A_185 = arith.addi %add3A_184, %iota3A : vector<16xi32>
      %gather3A_186 = tpu.vector_load_idx %arg5[%add3A_185, %broadcast_in_dim3A] : memref<512x128xi32, #tpu.memory_space<vmem>>[vector<16xi32>, vector<16xi32>], vector<16xi32>,
      %swap3A_187 = arith.constant 1 : i32
      %swap3A_188 = arith.index_cast %swap3A_187 : i32 to index
      %swap3A_189 = arith.constant 16 : index
      %swap3A_190 = tpu.vector_load %arg6[%swap3A_188, %swap3A_189] {strides = array<i32>} : memref<4x128xi32, #tpu.memory_space<vmem>>, vector<16xi32>,
      tpu.vector_store %arg6[%swap3A_188, %swap3A_189], %gather3A_186 {strides = array<i32>} : memref<4x128xi32, #tpu.memory_space<vmem>>, vector<16xi32>,
      %add3A_191 = vector.broadcast %mul3A_2 : i32 to vector<16xi32>
      %add3A_192 = arith.addi %add3A_191, %add3A_185 : vector<16xi32>
      %mul3A_193 = arith.constant 8 : i32
      %mul3A_194 = vector.broadcast %mul3A_193 : i32 to vector<16xi32>
      %mul3A_195 = arith.muli %add3A_192, %mul3A_194 : vector<16xi32>
      %add3A_196 = vector.broadcast %add3A_13 : i32 to vector<16xi32>
      %add3A_197 = arith.addi %mul3A_195, %add3A_196 : vector<16xi32>
      %swap3A_198 = arith.constant 1 : i32
      %swap3A_199 = arith.index_cast %swap3A_198 : i32 to index
      %swap3A_200 = arith.constant 16 : index
      %swap3A_201 = tpu.vector_load %arg7[%swap3A_199, %swap3A_200] {strides = array<i32>} : memref<4x128xi32, #tpu.memory_space<vmem>>, vector<16xi32>,
      tpu.vector_store %arg7[%swap3A_199, %swap3A_200], %add3A_197 {strides = array<i32>} : memref<4x128xi32, #tpu.memory_space<vmem>>, vector<16xi32>,
      %add3A_202 = arith.constant 160 : i32
      %add3A_203 = vector.broadcast %add3A_202 : i32 to vector<16xi32>
      %add3A_204 = arith.addi %add3A_203, %iota3A : vector<16xi32>
      %gather3A_205 = tpu.vector_load_idx %arg5[%add3A_204, %broadcast_in_dim3A] : memref<512x128xi32, #tpu.memory_space<vmem>>[vector<16xi32>, vector<16xi32>], vector<16xi32>,
      %swap3A_206 = arith.constant 1 : i32
      %swap3A_207 = arith.index_cast %swap3A_206 : i32 to index
      %swap3A_208 = arith.constant 32 : index
      %swap3A_209 = tpu.vector_load %arg6[%swap3A_207, %swap3A_208] {strides = array<i32>} : memref<4x128xi32, #tpu.memory_space<vmem>>, vector<16xi32>,
      tpu.vector_store %arg6[%swap3A_207, %swap3A_208], %gather3A_205 {strides = array<i32>} : memref<4x128xi32, #tpu.memory_space<vmem>>, vector<16xi32>,
      %add3A_210 = vector.broadcast %mul3A_2 : i32 to vector<16xi32>
      %add3A_211 = arith.addi %add3A_210, %add3A_204 : vector<16xi32>
      %mul3A_212 = arith.constant 8 : i32
      %mul3A_213 = vector.broadcast %mul3A_212 : i32 to vector<16xi32>
      %mul3A_214 = arith.muli %add3A_211, %mul3A_213 : vector<16xi32>
      %add3A_215 = vector.broadcast %add3A_13 : i32 to vector<16xi32>
      %add3A_216 = arith.addi %mul3A_214, %add3A_215 : vector<16xi32>
      %swap3A_217 = arith.constant 1 : i32
      %swap3A_218 = arith.index_cast %swap3A_217 : i32 to index
      %swap3A_219 = arith.constant 32 : index
      %swap3A_220 = tpu.vector_load %arg7[%swap3A_218, %swap3A_219] {strides = array<i32>} : memref<4x128xi32, #tpu.memory_space<vmem>>, vector<16xi32>,
      tpu.vector_store %arg7[%swap3A_218, %swap3A_219], %add3A_216 {strides = array<i32>} : memref<4x128xi32, #tpu.memory_space<vmem>>, vector<16xi32>,
      %add3A_221 = arith.constant 176 : i32
      %add3A_222 = vector.broadcast %add3A_221 : i32 to vector<16xi32>
      %add3A_223 = arith.addi %add3A_222, %iota3A : vector<16xi32>
      %gather3A_224 = tpu.vector_load_idx %arg5[%add3A_223, %broadcast_in_dim3A] : memref<512x128xi32, #tpu.memory_space<vmem>>[vector<16xi32>, vector<16xi32>], vector<16xi32>,
      %swap3A_225 = arith.constant 1 : i32
      %swap3A_226 = arith.index_cast %swap3A_225 : i32 to index
      %swap3A_227 = arith.constant 48 : index
      %swap3A_228 = tpu.vector_load %arg6[%swap3A_226, %swap3A_227] {strides = array<i32>} : memref<4x128xi32, #tpu.memory_space<vmem>>, vector<16xi32>,
      tpu.vector_store %arg6[%swap3A_226, %swap3A_227], %gather3A_224 {strides = array<i32>} : memref<4x128xi32, #tpu.memory_space<vmem>>, vector<16xi32>,
      %add3A_229 = vector.broadcast %mul3A_2 : i32 to vector<16xi32>
      %add3A_230 = arith.addi %add3A_229, %add3A_223 : vector<16xi32>
      %mul3A_231 = arith.constant 8 : i32
      %mul3A_232 = vector.broadcast %mul3A_231 : i32 to vector<16xi32>
      %mul3A_233 = arith.muli %add3A_230, %mul3A_232 : vector<16xi32>
      %add3A_234 = vector.broadcast %add3A_13 : i32 to vector<16xi32>
      %add3A_235 = arith.addi %mul3A_233, %add3A_234 : vector<16xi32>
      %swap3A_236 = arith.constant 1 : i32
      %swap3A_237 = arith.index_cast %swap3A_236 : i32 to index
      %swap3A_238 = arith.constant 48 : index
      %swap3A_239 = tpu.vector_load %arg7[%swap3A_237, %swap3A_238] {strides = array<i32>} : memref<4x128xi32, #tpu.memory_space<vmem>>, vector<16xi32>,
      tpu.vector_store %arg7[%swap3A_237, %swap3A_238], %add3A_235 {strides = array<i32>} : memref<4x128xi32, #tpu.memory_space<vmem>>, vector<16xi32>,
      %add3A_240 = arith.constant 192 : i32
      %add3A_241 = vector.broadcast %add3A_240 : i32 to vector<16xi32>
      %add3A_242 = arith.addi %add3A_241, %iota3A : vector<16xi32>
      %gather3A_243 = tpu.vector_load_idx %arg5[%add3A_242, %broadcast_in_dim3A] : memref<512x128xi32, #tpu.memory_space<vmem>>[vector<16xi32>, vector<16xi32>], vector<16xi32>,
      %swap3A_244 = arith.constant 1 : i32
      %swap3A_245 = arith.index_cast %swap3A_244 : i32 to index
      %swap3A_246 = arith.constant 64 : index
      %swap3A_247 = tpu.vector_load %arg6[%swap3A_245, %swap3A_246] {strides = array<i32>} : memref<4x128xi32, #tpu.memory_space<vmem>>, vector<16xi32>,
      tpu.vector_store %arg6[%swap3A_245, %swap3A_246], %gather3A_243 {strides = array<i32>} : memref<4x128xi32, #tpu.memory_space<vmem>>, vector<16xi32>,
      %add3A_248 = vector.broadcast %mul3A_2 : i32 to vector<16xi32>
      %add3A_249 = arith.addi %add3A_248, %add3A_242 : vector<16xi32>
      %mul3A_250 = arith.constant 8 : i32
      %mul3A_251 = vector.broadcast %mul3A_250 : i32 to vector<16xi32>
      %mul3A_252 = arith.muli %add3A_249, %mul3A_251 : vector<16xi32>
      %add3A_253 = vector.broadcast %add3A_13 : i32 to vector<16xi32>
      %add3A_254 = arith.addi %mul3A_252, %add3A_253 : vector<16xi32>
      %swap3A_255 = arith.constant 1 : i32
      %swap3A_256 = arith.index_cast %swap3A_255 : i32 to index
      %swap3A_257 = arith.constant 64 : index
      %swap3A_258 = tpu.vector_load %arg7[%swap3A_256, %swap3A_257] {strides = array<i32>} : memref<4x128xi32, #tpu.memory_space<vmem>>, vector<16xi32>,
      tpu.vector_store %arg7[%swap3A_256, %swap3A_257], %add3A_254 {strides = array<i32>} : memref<4x128xi32, #tpu.memory_space<vmem>>, vector<16xi32>,
      %add3A_259 = arith.constant 208 : i32
      %add3A_260 = vector.broadcast %add3A_259 : i32 to vector<16xi32>
      %add3A_261 = arith.addi %add3A_260, %iota3A : vector<16xi32>
      %gather3A_262 = tpu.vector_load_idx %arg5[%add3A_261, %broadcast_in_dim3A] : memref<512x128xi32, #tpu.memory_space<vmem>>[vector<16xi32>, vector<16xi32>], vector<16xi32>,
      %swap3A_263 = arith.constant 1 : i32
      %swap3A_264 = arith.index_cast %swap3A_263 : i32 to index
      %swap3A_265 = arith.constant 80 : index
      %swap3A_266 = tpu.vector_load %arg6[%swap3A_264, %swap3A_265] {strides = array<i32>} : memref<4x128xi32, #tpu.memory_space<vmem>>, vector<16xi32>,
      tpu.vector_store %arg6[%swap3A_264, %swap3A_265], %gather3A_262 {strides = array<i32>} : memref<4x128xi32, #tpu.memory_space<vmem>>, vector<16xi32>,
      %add3A_267 = vector.broadcast %mul3A_2 : i32 to vector<16xi32>
      %add3A_268 = arith.addi %add3A_267, %add3A_261 : vector<16xi32>
      %mul3A_269 = arith.constant 8 : i32
      %mul3A_270 = vector.broadcast %mul3A_269 : i32 to vector<16xi32>
      %mul3A_271 = arith.muli %add3A_268, %mul3A_270 : vector<16xi32>
      %add3A_272 = vector.broadcast %add3A_13 : i32 to vector<16xi32>
      %add3A_273 = arith.addi %mul3A_271, %add3A_272 : vector<16xi32>
      %swap3A_274 = arith.constant 1 : i32
      %swap3A_275 = arith.index_cast %swap3A_274 : i32 to index
      %swap3A_276 = arith.constant 80 : index
      %swap3A_277 = tpu.vector_load %arg7[%swap3A_275, %swap3A_276] {strides = array<i32>} : memref<4x128xi32, #tpu.memory_space<vmem>>, vector<16xi32>,
      tpu.vector_store %arg7[%swap3A_275, %swap3A_276], %add3A_273 {strides = array<i32>} : memref<4x128xi32, #tpu.memory_space<vmem>>, vector<16xi32>,
      %add3A_278 = arith.constant 224 : i32
      %add3A_279 = vector.broadcast %add3A_278 : i32 to vector<16xi32>
      %add3A_280 = arith.addi %add3A_279, %iota3A : vector<16xi32>
      %gather3A_281 = tpu.vector_load_idx %arg5[%add3A_280, %broadcast_in_dim3A] : memref<512x128xi32, #tpu.memory_space<vmem>>[vector<16xi32>, vector<16xi32>], vector<16xi32>,
      %swap3A_282 = arith.constant 1 : i32
      %swap3A_283 = arith.index_cast %swap3A_282 : i32 to index
      %swap3A_284 = arith.constant 96 : index
      %swap3A_285 = tpu.vector_load %arg6[%swap3A_283, %swap3A_284] {strides = array<i32>} : memref<4x128xi32, #tpu.memory_space<vmem>>, vector<16xi32>,
      tpu.vector_store %arg6[%swap3A_283, %swap3A_284], %gather3A_281 {strides = array<i32>} : memref<4x128xi32, #tpu.memory_space<vmem>>, vector<16xi32>,
      %add3A_286 = vector.broadcast %mul3A_2 : i32 to vector<16xi32>
      %add3A_287 = arith.addi %add3A_286, %add3A_280 : vector<16xi32>
      %mul3A_288 = arith.constant 8 : i32
      %mul3A_289 = vector.broadcast %mul3A_288 : i32 to vector<16xi32>
      %mul3A_290 = arith.muli %add3A_287, %mul3A_289 : vector<16xi32>
      %add3A_291 = vector.broadcast %add3A_13 : i32 to vector<16xi32>
      %add3A_292 = arith.addi %mul3A_290, %add3A_291 : vector<16xi32>
      %swap3A_293 = arith.constant 1 : i32
      %swap3A_294 = arith.index_cast %swap3A_293 : i32 to index
      %swap3A_295 = arith.constant 96 : index
      %swap3A_296 = tpu.vector_load %arg7[%swap3A_294, %swap3A_295] {strides = array<i32>} : memref<4x128xi32, #tpu.memory_space<vmem>>, vector<16xi32>,
      tpu.vector_store %arg7[%swap3A_294, %swap3A_295], %add3A_292 {strides = array<i32>} : memref<4x128xi32, #tpu.memory_space<vmem>>, vector<16xi32>,
      %add3A_297 = arith.constant 240 : i32
      %add3A_298 = vector.broadcast %add3A_297 : i32 to vector<16xi32>
      %add3A_299 = arith.addi %add3A_298, %iota3A : vector<16xi32>
      %gather3A_300 = tpu.vector_load_idx %arg5[%add3A_299, %broadcast_in_dim3A] : memref<512x128xi32, #tpu.memory_space<vmem>>[vector<16xi32>, vector<16xi32>], vector<16xi32>,
      %swap3A_301 = arith.constant 1 : i32
      %swap3A_302 = arith.index_cast %swap3A_301 : i32 to index
      %swap3A_303 = arith.constant 112 : index
      %swap3A_304 = tpu.vector_load %arg6[%swap3A_302, %swap3A_303] {strides = array<i32>} : memref<4x128xi32, #tpu.memory_space<vmem>>, vector<16xi32>,
      tpu.vector_store %arg6[%swap3A_302, %swap3A_303], %gather3A_300 {strides = array<i32>} : memref<4x128xi32, #tpu.memory_space<vmem>>, vector<16xi32>,
      %add3A_305 = vector.broadcast %mul3A_2 : i32 to vector<16xi32>
      %add3A_306 = arith.addi %add3A_305, %add3A_299 : vector<16xi32>
      %mul3A_307 = arith.constant 8 : i32
      %mul3A_308 = vector.broadcast %mul3A_307 : i32 to vector<16xi32>
      %mul3A_309 = arith.muli %add3A_306, %mul3A_308 : vector<16xi32>
      %add3A_310 = vector.broadcast %add3A_13 : i32 to vector<16xi32>
      %add3A_311 = arith.addi %mul3A_309, %add3A_310 : vector<16xi32>
      %swap3A_312 = arith.constant 1 : i32
      %swap3A_313 = arith.index_cast %swap3A_312 : i32 to index
      %swap3A_314 = arith.constant 112 : index
      %swap3A_315 = tpu.vector_load %arg7[%swap3A_313, %swap3A_314] {strides = array<i32>} : memref<4x128xi32, #tpu.memory_space<vmem>>, vector<16xi32>,
      tpu.vector_store %arg7[%swap3A_313, %swap3A_314], %add3A_311 {strides = array<i32>} : memref<4x128xi32, #tpu.memory_space<vmem>>, vector<16xi32>,
      %add3A_316 = arith.constant 256 : i32
      %add3A_317 = vector.broadcast %add3A_316 : i32 to vector<16xi32>
      %add3A_318 = arith.addi %add3A_317, %iota3A : vector<16xi32>
      %gather3A_319 = tpu.vector_load_idx %arg5[%add3A_318, %broadcast_in_dim3A] : memref<512x128xi32, #tpu.memory_space<vmem>>[vector<16xi32>, vector<16xi32>], vector<16xi32>,
      %swap3A_320 = arith.constant 2 : i32
      %swap3A_321 = arith.index_cast %swap3A_320 : i32 to index
      %swap3A_322 = arith.constant 0 : index
      %swap3A_323 = tpu.vector_load %arg6[%swap3A_321, %swap3A_322] {strides = array<i32>} : memref<4x128xi32, #tpu.memory_space<vmem>>, vector<16xi32>,
      tpu.vector_store %arg6[%swap3A_321, %swap3A_322], %gather3A_319 {strides = array<i32>} : memref<4x128xi32, #tpu.memory_space<vmem>>, vector<16xi32>,
      %add3A_324 = vector.broadcast %mul3A_2 : i32 to vector<16xi32>
      %add3A_325 = arith.addi %add3A_324, %add3A_318 : vector<16xi32>
      %mul3A_326 = arith.constant 8 : i32
      %mul3A_327 = vector.broadcast %mul3A_326 : i32 to vector<16xi32>
      %mul3A_328 = arith.muli %add3A_325, %mul3A_327 : vector<16xi32>
      %add3A_329 = vector.broadcast %add3A_13 : i32 to vector<16xi32>
      %add3A_330 = arith.addi %mul3A_328, %add3A_329 : vector<16xi32>
      %swap3A_331 = arith.constant 2 : i32
      %swap3A_332 = arith.index_cast %swap3A_331 : i32 to index
      %swap3A_333 = arith.constant 0 : index
      %swap3A_334 = tpu.vector_load %arg7[%swap3A_332, %swap3A_333] {strides = array<i32>} : memref<4x128xi32, #tpu.memory_space<vmem>>, vector<16xi32>,
      tpu.vector_store %arg7[%swap3A_332, %swap3A_333], %add3A_330 {strides = array<i32>} : memref<4x128xi32, #tpu.memory_space<vmem>>, vector<16xi32>,
      %add3A_335 = arith.constant 272 : i32
      %add3A_336 = vector.broadcast %add3A_335 : i32 to vector<16xi32>
      %add3A_337 = arith.addi %add3A_336, %iota3A : vector<16xi32>
      %gather3A_338 = tpu.vector_load_idx %arg5[%add3A_337, %broadcast_in_dim3A] : memref<512x128xi32, #tpu.memory_space<vmem>>[vector<16xi32>, vector<16xi32>], vector<16xi32>,
      %swap3A_339 = arith.constant 2 : i32
      %swap3A_340 = arith.index_cast %swap3A_339 : i32 to index
      %swap3A_341 = arith.constant 16 : index
      %swap3A_342 = tpu.vector_load %arg6[%swap3A_340, %swap3A_341] {strides = array<i32>} : memref<4x128xi32, #tpu.memory_space<vmem>>, vector<16xi32>,
      tpu.vector_store %arg6[%swap3A_340, %swap3A_341], %gather3A_338 {strides = array<i32>} : memref<4x128xi32, #tpu.memory_space<vmem>>, vector<16xi32>,
      %add3A_343 = vector.broadcast %mul3A_2 : i32 to vector<16xi32>
      %add3A_344 = arith.addi %add3A_343, %add3A_337 : vector<16xi32>
      %mul3A_345 = arith.constant 8 : i32
      %mul3A_346 = vector.broadcast %mul3A_345 : i32 to vector<16xi32>
      %mul3A_347 = arith.muli %add3A_344, %mul3A_346 : vector<16xi32>
      %add3A_348 = vector.broadcast %add3A_13 : i32 to vector<16xi32>
      %add3A_349 = arith.addi %mul3A_347, %add3A_348 : vector<16xi32>
      %swap3A_350 = arith.constant 2 : i32
      %swap3A_351 = arith.index_cast %swap3A_350 : i32 to index
      %swap3A_352 = arith.constant 16 : index
      %swap3A_353 = tpu.vector_load %arg7[%swap3A_351, %swap3A_352] {strides = array<i32>} : memref<4x128xi32, #tpu.memory_space<vmem>>, vector<16xi32>,
      tpu.vector_store %arg7[%swap3A_351, %swap3A_352], %add3A_349 {strides = array<i32>} : memref<4x128xi32, #tpu.memory_space<vmem>>, vector<16xi32>,
      %add3A_354 = arith.constant 288 : i32
      %add3A_355 = vector.broadcast %add3A_354 : i32 to vector<16xi32>
      %add3A_356 = arith.addi %add3A_355, %iota3A : vector<16xi32>
      %gather3A_357 = tpu.vector_load_idx %arg5[%add3A_356, %broadcast_in_dim3A] : memref<512x128xi32, #tpu.memory_space<vmem>>[vector<16xi32>, vector<16xi32>], vector<16xi32>,
      %swap3A_358 = arith.constant 2 : i32
      %swap3A_359 = arith.index_cast %swap3A_358 : i32 to index
      %swap3A_360 = arith.constant 32 : index
      %swap3A_361 = tpu.vector_load %arg6[%swap3A_359, %swap3A_360] {strides = array<i32>} : memref<4x128xi32, #tpu.memory_space<vmem>>, vector<16xi32>,
      tpu.vector_store %arg6[%swap3A_359, %swap3A_360], %gather3A_357 {strides = array<i32>} : memref<4x128xi32, #tpu.memory_space<vmem>>, vector<16xi32>,
      %add3A_362 = vector.broadcast %mul3A_2 : i32 to vector<16xi32>
      %add3A_363 = arith.addi %add3A_362, %add3A_356 : vector<16xi32>
      %mul3A_364 = arith.constant 8 : i32
      %mul3A_365 = vector.broadcast %mul3A_364 : i32 to vector<16xi32>
      %mul3A_366 = arith.muli %add3A_363, %mul3A_365 : vector<16xi32>
      %add3A_367 = vector.broadcast %add3A_13 : i32 to vector<16xi32>
      %add3A_368 = arith.addi %mul3A_366, %add3A_367 : vector<16xi32>
      %swap3A_369 = arith.constant 2 : i32
      %swap3A_370 = arith.index_cast %swap3A_369 : i32 to index
      %swap3A_371 = arith.constant 32 : index
      %swap3A_372 = tpu.vector_load %arg7[%swap3A_370, %swap3A_371] {strides = array<i32>} : memref<4x128xi32, #tpu.memory_space<vmem>>, vector<16xi32>,
      tpu.vector_store %arg7[%swap3A_370, %swap3A_371], %add3A_368 {strides = array<i32>} : memref<4x128xi32, #tpu.memory_space<vmem>>, vector<16xi32>,
      %add3A_373 = arith.constant 304 : i32
      %add3A_374 = vector.broadcast %add3A_373 : i32 to vector<16xi32>
      %add3A_375 = arith.addi %add3A_374, %iota3A : vector<16xi32>
      %gather3A_376 = tpu.vector_load_idx %arg5[%add3A_375, %broadcast_in_dim3A] : memref<512x128xi32, #tpu.memory_space<vmem>>[vector<16xi32>, vector<16xi32>], vector<16xi32>,
      %swap3A_377 = arith.constant 2 : i32
      %swap3A_378 = arith.index_cast %swap3A_377 : i32 to index
      %swap3A_379 = arith.constant 48 : index
      %swap3A_380 = tpu.vector_load %arg6[%swap3A_378, %swap3A_379] {strides = array<i32>} : memref<4x128xi32, #tpu.memory_space<vmem>>, vector<16xi32>,
      tpu.vector_store %arg6[%swap3A_378, %swap3A_379], %gather3A_376 {strides = array<i32>} : memref<4x128xi32, #tpu.memory_space<vmem>>, vector<16xi32>,
      %add3A_381 = vector.broadcast %mul3A_2 : i32 to vector<16xi32>
      %add3A_382 = arith.addi %add3A_381, %add3A_375 : vector<16xi32>
      %mul3A_383 = arith.constant 8 : i32
      %mul3A_384 = vector.broadcast %mul3A_383 : i32 to vector<16xi32>
      %mul3A_385 = arith.muli %add3A_382, %mul3A_384 : vector<16xi32>
      %add3A_386 = vector.broadcast %add3A_13 : i32 to vector<16xi32>
      %add3A_387 = arith.addi %mul3A_385, %add3A_386 : vector<16xi32>
      %swap3A_388 = arith.constant 2 : i32
      %swap3A_389 = arith.index_cast %swap3A_388 : i32 to index
      %swap3A_390 = arith.constant 48 : index
      %swap3A_391 = tpu.vector_load %arg7[%swap3A_389, %swap3A_390] {strides = array<i32>} : memref<4x128xi32, #tpu.memory_space<vmem>>, vector<16xi32>,
      tpu.vector_store %arg7[%swap3A_389, %swap3A_390], %add3A_387 {strides = array<i32>} : memref<4x128xi32, #tpu.memory_space<vmem>>, vector<16xi32>,
      %add3A_392 = arith.constant 320 : i32
      %add3A_393 = vector.broadcast %add3A_392 : i32 to vector<16xi32>
      %add3A_394 = arith.addi %add3A_393, %iota3A : vector<16xi32>
      %gather3A_395 = tpu.vector_load_idx %arg5[%add3A_394, %broadcast_in_dim3A] : memref<512x128xi32, #tpu.memory_space<vmem>>[vector<16xi32>, vector<16xi32>], vector<16xi32>,
      %swap3A_396 = arith.constant 2 : i32
      %swap3A_397 = arith.index_cast %swap3A_396 : i32 to index
      %swap3A_398 = arith.constant 64 : index
      %swap3A_399 = tpu.vector_load %arg6[%swap3A_397, %swap3A_398] {strides = array<i32>} : memref<4x128xi32, #tpu.memory_space<vmem>>, vector<16xi32>,
      tpu.vector_store %arg6[%swap3A_397, %swap3A_398], %gather3A_395 {strides = array<i32>} : memref<4x128xi32, #tpu.memory_space<vmem>>, vector<16xi32>,
      %add3A_400 = vector.broadcast %mul3A_2 : i32 to vector<16xi32>
      %add3A_401 = arith.addi %add3A_400, %add3A_394 : vector<16xi32>
      %mul3A_402 = arith.constant 8 : i32
      %mul3A_403 = vector.broadcast %mul3A_402 : i32 to vector<16xi32>
      %mul3A_404 = arith.muli %add3A_401, %mul3A_403 : vector<16xi32>
      %add3A_405 = vector.broadcast %add3A_13 : i32 to vector<16xi32>
      %add3A_406 = arith.addi %mul3A_404, %add3A_405 : vector<16xi32>
      %swap3A_407 = arith.constant 2 : i32
      %swap3A_408 = arith.index_cast %swap3A_407 : i32 to index
      %swap3A_409 = arith.constant 64 : index
      %swap3A_410 = tpu.vector_load %arg7[%swap3A_408, %swap3A_409] {strides = array<i32>} : memref<4x128xi32, #tpu.memory_space<vmem>>, vector<16xi32>,
      tpu.vector_store %arg7[%swap3A_408, %swap3A_409], %add3A_406 {strides = array<i32>} : memref<4x128xi32, #tpu.memory_space<vmem>>, vector<16xi32>,
      %add3A_411 = arith.constant 336 : i32
      %add3A_412 = vector.broadcast %add3A_411 : i32 to vector<16xi32>
      %add3A_413 = arith.addi %add3A_412, %iota3A : vector<16xi32>
      %gather3A_414 = tpu.vector_load_idx %arg5[%add3A_413, %broadcast_in_dim3A] : memref<512x128xi32, #tpu.memory_space<vmem>>[vector<16xi32>, vector<16xi32>], vector<16xi32>,
      %swap3A_415 = arith.constant 2 : i32
      %swap3A_416 = arith.index_cast %swap3A_415 : i32 to index
      %swap3A_417 = arith.constant 80 : index
      %swap3A_418 = tpu.vector_load %arg6[%swap3A_416, %swap3A_417] {strides = array<i32>} : memref<4x128xi32, #tpu.memory_space<vmem>>, vector<16xi32>,
      tpu.vector_store %arg6[%swap3A_416, %swap3A_417], %gather3A_414 {strides = array<i32>} : memref<4x128xi32, #tpu.memory_space<vmem>>, vector<16xi32>,
      %add3A_419 = vector.broadcast %mul3A_2 : i32 to vector<16xi32>
      %add3A_420 = arith.addi %add3A_419, %add3A_413 : vector<16xi32>
      %mul3A_421 = arith.constant 8 : i32
      %mul3A_422 = vector.broadcast %mul3A_421 : i32 to vector<16xi32>
      %mul3A_423 = arith.muli %add3A_420, %mul3A_422 : vector<16xi32>
      %add3A_424 = vector.broadcast %add3A_13 : i32 to vector<16xi32>
      %add3A_425 = arith.addi %mul3A_423, %add3A_424 : vector<16xi32>
      %swap3A_426 = arith.constant 2 : i32
      %swap3A_427 = arith.index_cast %swap3A_426 : i32 to index
      %swap3A_428 = arith.constant 80 : index
      %swap3A_429 = tpu.vector_load %arg7[%swap3A_427, %swap3A_428] {strides = array<i32>} : memref<4x128xi32, #tpu.memory_space<vmem>>, vector<16xi32>,
      tpu.vector_store %arg7[%swap3A_427, %swap3A_428], %add3A_425 {strides = array<i32>} : memref<4x128xi32, #tpu.memory_space<vmem>>, vector<16xi32>,
      %add3A_430 = arith.constant 352 : i32
      %add3A_431 = vector.broadcast %add3A_430 : i32 to vector<16xi32>
      %add3A_432 = arith.addi %add3A_431, %iota3A : vector<16xi32>
      %gather3A_433 = tpu.vector_load_idx %arg5[%add3A_432, %broadcast_in_dim3A] : memref<512x128xi32, #tpu.memory_space<vmem>>[vector<16xi32>, vector<16xi32>], vector<16xi32>,
      %swap3A_434 = arith.constant 2 : i32
      %swap3A_435 = arith.index_cast %swap3A_434 : i32 to index
      %swap3A_436 = arith.constant 96 : index
      %swap3A_437 = tpu.vector_load %arg6[%swap3A_435, %swap3A_436] {strides = array<i32>} : memref<4x128xi32, #tpu.memory_space<vmem>>, vector<16xi32>,
      tpu.vector_store %arg6[%swap3A_435, %swap3A_436], %gather3A_433 {strides = array<i32>} : memref<4x128xi32, #tpu.memory_space<vmem>>, vector<16xi32>,
      %add3A_438 = vector.broadcast %mul3A_2 : i32 to vector<16xi32>
      %add3A_439 = arith.addi %add3A_438, %add3A_432 : vector<16xi32>
      %mul3A_440 = arith.constant 8 : i32
      %mul3A_441 = vector.broadcast %mul3A_440 : i32 to vector<16xi32>
      %mul3A_442 = arith.muli %add3A_439, %mul3A_441 : vector<16xi32>
      %add3A_443 = vector.broadcast %add3A_13 : i32 to vector<16xi32>
      %add3A_444 = arith.addi %mul3A_442, %add3A_443 : vector<16xi32>
      %swap3A_445 = arith.constant 2 : i32
      %swap3A_446 = arith.index_cast %swap3A_445 : i32 to index
      %swap3A_447 = arith.constant 96 : index
      %swap3A_448 = tpu.vector_load %arg7[%swap3A_446, %swap3A_447] {strides = array<i32>} : memref<4x128xi32, #tpu.memory_space<vmem>>, vector<16xi32>,
      tpu.vector_store %arg7[%swap3A_446, %swap3A_447], %add3A_444 {strides = array<i32>} : memref<4x128xi32, #tpu.memory_space<vmem>>, vector<16xi32>,
      %add3A_449 = arith.constant 368 : i32
      %add3A_450 = vector.broadcast %add3A_449 : i32 to vector<16xi32>
      %add3A_451 = arith.addi %add3A_450, %iota3A : vector<16xi32>
      %gather3A_452 = tpu.vector_load_idx %arg5[%add3A_451, %broadcast_in_dim3A] : memref<512x128xi32, #tpu.memory_space<vmem>>[vector<16xi32>, vector<16xi32>], vector<16xi32>,
      %swap3A_453 = arith.constant 2 : i32
      %swap3A_454 = arith.index_cast %swap3A_453 : i32 to index
      %swap3A_455 = arith.constant 112 : index
      %swap3A_456 = tpu.vector_load %arg6[%swap3A_454, %swap3A_455] {strides = array<i32>} : memref<4x128xi32, #tpu.memory_space<vmem>>, vector<16xi32>,
      tpu.vector_store %arg6[%swap3A_454, %swap3A_455], %gather3A_452 {strides = array<i32>} : memref<4x128xi32, #tpu.memory_space<vmem>>, vector<16xi32>,
      %add3A_457 = vector.broadcast %mul3A_2 : i32 to vector<16xi32>
      %add3A_458 = arith.addi %add3A_457, %add3A_451 : vector<16xi32>
      %mul3A_459 = arith.constant 8 : i32
      %mul3A_460 = vector.broadcast %mul3A_459 : i32 to vector<16xi32>
      %mul3A_461 = arith.muli %add3A_458, %mul3A_460 : vector<16xi32>
      %add3A_462 = vector.broadcast %add3A_13 : i32 to vector<16xi32>
      %add3A_463 = arith.addi %mul3A_461, %add3A_462 : vector<16xi32>
      %swap3A_464 = arith.constant 2 : i32
      %swap3A_465 = arith.index_cast %swap3A_464 : i32 to index
      %swap3A_466 = arith.constant 112 : index
      %swap3A_467 = tpu.vector_load %arg7[%swap3A_465, %swap3A_466] {strides = array<i32>} : memref<4x128xi32, #tpu.memory_space<vmem>>, vector<16xi32>,
      tpu.vector_store %arg7[%swap3A_465, %swap3A_466], %add3A_463 {strides = array<i32>} : memref<4x128xi32, #tpu.memory_space<vmem>>, vector<16xi32>,
      %add3A_468 = arith.constant 384 : i32
      %add3A_469 = vector.broadcast %add3A_468 : i32 to vector<16xi32>
      %add3A_470 = arith.addi %add3A_469, %iota3A : vector<16xi32>
      %gather3A_471 = tpu.vector_load_idx %arg5[%add3A_470, %broadcast_in_dim3A] : memref<512x128xi32, #tpu.memory_space<vmem>>[vector<16xi32>, vector<16xi32>], vector<16xi32>,
      %swap3A_472 = arith.constant 3 : i32
      %swap3A_473 = arith.index_cast %swap3A_472 : i32 to index
      %swap3A_474 = arith.constant 0 : index
      %swap3A_475 = tpu.vector_load %arg6[%swap3A_473, %swap3A_474] {strides = array<i32>} : memref<4x128xi32, #tpu.memory_space<vmem>>, vector<16xi32>,
      tpu.vector_store %arg6[%swap3A_473, %swap3A_474], %gather3A_471 {strides = array<i32>} : memref<4x128xi32, #tpu.memory_space<vmem>>, vector<16xi32>,
      %add3A_476 = vector.broadcast %mul3A_2 : i32 to vector<16xi32>
      %add3A_477 = arith.addi %add3A_476, %add3A_470 : vector<16xi32>
      %mul3A_478 = arith.constant 8 : i32
      %mul3A_479 = vector.broadcast %mul3A_478 : i32 to vector<16xi32>
      %mul3A_480 = arith.muli %add3A_477, %mul3A_479 : vector<16xi32>
      %add3A_481 = vector.broadcast %add3A_13 : i32 to vector<16xi32>
      %add3A_482 = arith.addi %mul3A_480, %add3A_481 : vector<16xi32>
      %swap3A_483 = arith.constant 3 : i32
      %swap3A_484 = arith.index_cast %swap3A_483 : i32 to index
      %swap3A_485 = arith.constant 0 : index
      %swap3A_486 = tpu.vector_load %arg7[%swap3A_484, %swap3A_485] {strides = array<i32>} : memref<4x128xi32, #tpu.memory_space<vmem>>, vector<16xi32>,
      tpu.vector_store %arg7[%swap3A_484, %swap3A_485], %add3A_482 {strides = array<i32>} : memref<4x128xi32, #tpu.memory_space<vmem>>, vector<16xi32>,
      %add3A_487 = arith.constant 400 : i32
      %add3A_488 = vector.broadcast %add3A_487 : i32 to vector<16xi32>
      %add3A_489 = arith.addi %add3A_488, %iota3A : vector<16xi32>
      %gather3A_490 = tpu.vector_load_idx %arg5[%add3A_489, %broadcast_in_dim3A] : memref<512x128xi32, #tpu.memory_space<vmem>>[vector<16xi32>, vector<16xi32>], vector<16xi32>,
      %swap3A_491 = arith.constant 3 : i32
      %swap3A_492 = arith.index_cast %swap3A_491 : i32 to index
      %swap3A_493 = arith.constant 16 : index
      %swap3A_494 = tpu.vector_load %arg6[%swap3A_492, %swap3A_493] {strides = array<i32>} : memref<4x128xi32, #tpu.memory_space<vmem>>, vector<16xi32>,
      tpu.vector_store %arg6[%swap3A_492, %swap3A_493], %gather3A_490 {strides = array<i32>} : memref<4x128xi32, #tpu.memory_space<vmem>>, vector<16xi32>,
      %add3A_495 = vector.broadcast %mul3A_2 : i32 to vector<16xi32>
      %add3A_496 = arith.addi %add3A_495, %add3A_489 : vector<16xi32>
      %mul3A_497 = arith.constant 8 : i32
      %mul3A_498 = vector.broadcast %mul3A_497 : i32 to vector<16xi32>
      %mul3A_499 = arith.muli %add3A_496, %mul3A_498 : vector<16xi32>
      %add3A_500 = vector.broadcast %add3A_13 : i32 to vector<16xi32>
      %add3A_501 = arith.addi %mul3A_499, %add3A_500 : vector<16xi32>
      %swap3A_502 = arith.constant 3 : i32
      %swap3A_503 = arith.index_cast %swap3A_502 : i32 to index
      %swap3A_504 = arith.constant 16 : index
      %swap3A_505 = tpu.vector_load %arg7[%swap3A_503, %swap3A_504] {strides = array<i32>} : memref<4x128xi32, #tpu.memory_space<vmem>>, vector<16xi32>,
      tpu.vector_store %arg7[%swap3A_503, %swap3A_504], %add3A_501 {strides = array<i32>} : memref<4x128xi32, #tpu.memory_space<vmem>>, vector<16xi32>,
      %add3A_506 = arith.constant 416 : i32
      %add3A_507 = vector.broadcast %add3A_506 : i32 to vector<16xi32>
      %add3A_508 = arith.addi %add3A_507, %iota3A : vector<16xi32>
      %gather3A_509 = tpu.vector_load_idx %arg5[%add3A_508, %broadcast_in_dim3A] : memref<512x128xi32, #tpu.memory_space<vmem>>[vector<16xi32>, vector<16xi32>], vector<16xi32>,
      %swap3A_510 = arith.constant 3 : i32
      %swap3A_511 = arith.index_cast %swap3A_510 : i32 to index
      %swap3A_512 = arith.constant 32 : index
      %swap3A_513 = tpu.vector_load %arg6[%swap3A_511, %swap3A_512] {strides = array<i32>} : memref<4x128xi32, #tpu.memory_space<vmem>>, vector<16xi32>,
      tpu.vector_store %arg6[%swap3A_511, %swap3A_512], %gather3A_509 {strides = array<i32>} : memref<4x128xi32, #tpu.memory_space<vmem>>, vector<16xi32>,
      %add3A_514 = vector.broadcast %mul3A_2 : i32 to vector<16xi32>
      %add3A_515 = arith.addi %add3A_514, %add3A_508 : vector<16xi32>
      %mul3A_516 = arith.constant 8 : i32
      %mul3A_517 = vector.broadcast %mul3A_516 : i32 to vector<16xi32>
      %mul3A_518 = arith.muli %add3A_515, %mul3A_517 : vector<16xi32>
      %add3A_519 = vector.broadcast %add3A_13 : i32 to vector<16xi32>
      %add3A_520 = arith.addi %mul3A_518, %add3A_519 : vector<16xi32>
      %swap3A_521 = arith.constant 3 : i32
      %swap3A_522 = arith.index_cast %swap3A_521 : i32 to index
      %swap3A_523 = arith.constant 32 : index
      %swap3A_524 = tpu.vector_load %arg7[%swap3A_522, %swap3A_523] {strides = array<i32>} : memref<4x128xi32, #tpu.memory_space<vmem>>, vector<16xi32>,
      tpu.vector_store %arg7[%swap3A_522, %swap3A_523], %add3A_520 {strides = array<i32>} : memref<4x128xi32, #tpu.memory_space<vmem>>, vector<16xi32>,
      %add3A_525 = arith.constant 432 : i32
      %add3A_526 = vector.broadcast %add3A_525 : i32 to vector<16xi32>
      %add3A_527 = arith.addi %add3A_526, %iota3A : vector<16xi32>
      %gather3A_528 = tpu.vector_load_idx %arg5[%add3A_527, %broadcast_in_dim3A] : memref<512x128xi32, #tpu.memory_space<vmem>>[vector<16xi32>, vector<16xi32>], vector<16xi32>,
      %swap3A_529 = arith.constant 3 : i32
      %swap3A_530 = arith.index_cast %swap3A_529 : i32 to index
      %swap3A_531 = arith.constant 48 : index
      %swap3A_532 = tpu.vector_load %arg6[%swap3A_530, %swap3A_531] {strides = array<i32>} : memref<4x128xi32, #tpu.memory_space<vmem>>, vector<16xi32>,
      tpu.vector_store %arg6[%swap3A_530, %swap3A_531], %gather3A_528 {strides = array<i32>} : memref<4x128xi32, #tpu.memory_space<vmem>>, vector<16xi32>,
      %add3A_533 = vector.broadcast %mul3A_2 : i32 to vector<16xi32>
      %add3A_534 = arith.addi %add3A_533, %add3A_527 : vector<16xi32>
      %mul3A_535 = arith.constant 8 : i32
      %mul3A_536 = vector.broadcast %mul3A_535 : i32 to vector<16xi32>
      %mul3A_537 = arith.muli %add3A_534, %mul3A_536 : vector<16xi32>
      %add3A_538 = vector.broadcast %add3A_13 : i32 to vector<16xi32>
      %add3A_539 = arith.addi %mul3A_537, %add3A_538 : vector<16xi32>
      %swap3A_540 = arith.constant 3 : i32
      %swap3A_541 = arith.index_cast %swap3A_540 : i32 to index
      %swap3A_542 = arith.constant 48 : index
      %swap3A_543 = tpu.vector_load %arg7[%swap3A_541, %swap3A_542] {strides = array<i32>} : memref<4x128xi32, #tpu.memory_space<vmem>>, vector<16xi32>,
      tpu.vector_store %arg7[%swap3A_541, %swap3A_542], %add3A_539 {strides = array<i32>} : memref<4x128xi32, #tpu.memory_space<vmem>>, vector<16xi32>,
      %add3A_544 = arith.constant 448 : i32
      %add3A_545 = vector.broadcast %add3A_544 : i32 to vector<16xi32>
      %add3A_546 = arith.addi %add3A_545, %iota3A : vector<16xi32>
      %gather3A_547 = tpu.vector_load_idx %arg5[%add3A_546, %broadcast_in_dim3A] : memref<512x128xi32, #tpu.memory_space<vmem>>[vector<16xi32>, vector<16xi32>], vector<16xi32>,
      %swap3A_548 = arith.constant 3 : i32
      %swap3A_549 = arith.index_cast %swap3A_548 : i32 to index
      %swap3A_550 = arith.constant 64 : index
      %swap3A_551 = tpu.vector_load %arg6[%swap3A_549, %swap3A_550] {strides = array<i32>} : memref<4x128xi32, #tpu.memory_space<vmem>>, vector<16xi32>,
      tpu.vector_store %arg6[%swap3A_549, %swap3A_550], %gather3A_547 {strides = array<i32>} : memref<4x128xi32, #tpu.memory_space<vmem>>, vector<16xi32>,
      %add3A_552 = vector.broadcast %mul3A_2 : i32 to vector<16xi32>
      %add3A_553 = arith.addi %add3A_552, %add3A_546 : vector<16xi32>
      %mul3A_554 = arith.constant 8 : i32
      %mul3A_555 = vector.broadcast %mul3A_554 : i32 to vector<16xi32>
      %mul3A_556 = arith.muli %add3A_553, %mul3A_555 : vector<16xi32>
      %add3A_557 = vector.broadcast %add3A_13 : i32 to vector<16xi32>
      %add3A_558 = arith.addi %mul3A_556, %add3A_557 : vector<16xi32>
      %swap3A_559 = arith.constant 3 : i32
      %swap3A_560 = arith.index_cast %swap3A_559 : i32 to index
      %swap3A_561 = arith.constant 64 : index
      %swap3A_562 = tpu.vector_load %arg7[%swap3A_560, %swap3A_561] {strides = array<i32>} : memref<4x128xi32, #tpu.memory_space<vmem>>, vector<16xi32>,
      tpu.vector_store %arg7[%swap3A_560, %swap3A_561], %add3A_558 {strides = array<i32>} : memref<4x128xi32, #tpu.memory_space<vmem>>, vector<16xi32>,
      %add3A_563 = arith.constant 464 : i32
      %add3A_564 = vector.broadcast %add3A_563 : i32 to vector<16xi32>
      %add3A_565 = arith.addi %add3A_564, %iota3A : vector<16xi32>
      %gather3A_566 = tpu.vector_load_idx %arg5[%add3A_565, %broadcast_in_dim3A] : memref<512x128xi32, #tpu.memory_space<vmem>>[vector<16xi32>, vector<16xi32>], vector<16xi32>,
      %swap3A_567 = arith.constant 3 : i32
      %swap3A_568 = arith.index_cast %swap3A_567 : i32 to index
      %swap3A_569 = arith.constant 80 : index
      %swap3A_570 = tpu.vector_load %arg6[%swap3A_568, %swap3A_569] {strides = array<i32>} : memref<4x128xi32, #tpu.memory_space<vmem>>, vector<16xi32>,
      tpu.vector_store %arg6[%swap3A_568, %swap3A_569], %gather3A_566 {strides = array<i32>} : memref<4x128xi32, #tpu.memory_space<vmem>>, vector<16xi32>,
      %add3A_571 = vector.broadcast %mul3A_2 : i32 to vector<16xi32>
      %add3A_572 = arith.addi %add3A_571, %add3A_565 : vector<16xi32>
      %mul3A_573 = arith.constant 8 : i32
      %mul3A_574 = vector.broadcast %mul3A_573 : i32 to vector<16xi32>
      %mul3A_575 = arith.muli %add3A_572, %mul3A_574 : vector<16xi32>
      %add3A_576 = vector.broadcast %add3A_13 : i32 to vector<16xi32>
      %add3A_577 = arith.addi %mul3A_575, %add3A_576 : vector<16xi32>
      %swap3A_578 = arith.constant 3 : i32
      %swap3A_579 = arith.index_cast %swap3A_578 : i32 to index
      %swap3A_580 = arith.constant 80 : index
      %swap3A_581 = tpu.vector_load %arg7[%swap3A_579, %swap3A_580] {strides = array<i32>} : memref<4x128xi32, #tpu.memory_space<vmem>>, vector<16xi32>,
      tpu.vector_store %arg7[%swap3A_579, %swap3A_580], %add3A_577 {strides = array<i32>} : memref<4x128xi32, #tpu.memory_space<vmem>>, vector<16xi32>,
      %add3A_582 = arith.constant 480 : i32
      %add3A_583 = vector.broadcast %add3A_582 : i32 to vector<16xi32>
      %add3A_584 = arith.addi %add3A_583, %iota3A : vector<16xi32>
      %gather3A_585 = tpu.vector_load_idx %arg5[%add3A_584, %broadcast_in_dim3A] : memref<512x128xi32, #tpu.memory_space<vmem>>[vector<16xi32>, vector<16xi32>], vector<16xi32>,
      %swap3A_586 = arith.constant 3 : i32
      %swap3A_587 = arith.index_cast %swap3A_586 : i32 to index
      %swap3A_588 = arith.constant 96 : index
      %swap3A_589 = tpu.vector_load %arg6[%swap3A_587, %swap3A_588] {strides = array<i32>} : memref<4x128xi32, #tpu.memory_space<vmem>>, vector<16xi32>,
      tpu.vector_store %arg6[%swap3A_587, %swap3A_588], %gather3A_585 {strides = array<i32>} : memref<4x128xi32, #tpu.memory_space<vmem>>, vector<16xi32>,
      %add3A_590 = vector.broadcast %mul3A_2 : i32 to vector<16xi32>
      %add3A_591 = arith.addi %add3A_590, %add3A_584 : vector<16xi32>
      %mul3A_592 = arith.constant 8 : i32
      %mul3A_593 = vector.broadcast %mul3A_592 : i32 to vector<16xi32>
      %mul3A_594 = arith.muli %add3A_591, %mul3A_593 : vector<16xi32>
      %add3A_595 = vector.broadcast %add3A_13 : i32 to vector<16xi32>
      %add3A_596 = arith.addi %mul3A_594, %add3A_595 : vector<16xi32>
      %swap3A_597 = arith.constant 3 : i32
      %swap3A_598 = arith.index_cast %swap3A_597 : i32 to index
      %swap3A_599 = arith.constant 96 : index
      %swap3A_600 = tpu.vector_load %arg7[%swap3A_598, %swap3A_599] {strides = array<i32>} : memref<4x128xi32, #tpu.memory_space<vmem>>, vector<16xi32>,
      tpu.vector_store %arg7[%swap3A_598, %swap3A_599], %add3A_596 {strides = array<i32>} : memref<4x128xi32, #tpu.memory_space<vmem>>, vector<16xi32>,
      %add3A_601 = arith.constant 496 : i32
      %add3A_602 = vector.broadcast %add3A_601 : i32 to vector<16xi32>
      %add3A_603 = arith.addi %add3A_602, %iota3A : vector<16xi32>
      %gather3A_604 = tpu.vector_load_idx %arg5[%add3A_603, %broadcast_in_dim3A] : memref<512x128xi32, #tpu.memory_space<vmem>>[vector<16xi32>, vector<16xi32>], vector<16xi32>,
      %swap3A_605 = arith.constant 3 : i32
      %swap3A_606 = arith.index_cast %swap3A_605 : i32 to index
      %swap3A_607 = arith.constant 112 : index
      %swap3A_608 = tpu.vector_load %arg6[%swap3A_606, %swap3A_607] {strides = array<i32>} : memref<4x128xi32, #tpu.memory_space<vmem>>, vector<16xi32>,
      tpu.vector_store %arg6[%swap3A_606, %swap3A_607], %gather3A_604 {strides = array<i32>} : memref<4x128xi32, #tpu.memory_space<vmem>>, vector<16xi32>,
      %add3A_609 = vector.broadcast %mul3A_2 : i32 to vector<16xi32>
      %add3A_610 = arith.addi %add3A_609, %add3A_603 : vector<16xi32>
      %mul3A_611 = arith.constant 8 : i32
      %mul3A_612 = vector.broadcast %mul3A_611 : i32 to vector<16xi32>
      %mul3A_613 = arith.muli %add3A_610, %mul3A_612 : vector<16xi32>
      %add3A_614 = vector.broadcast %add3A_13 : i32 to vector<16xi32>
      %add3A_615 = arith.addi %mul3A_613, %add3A_614 : vector<16xi32>
      %swap3A_616 = arith.constant 3 : i32
      %swap3A_617 = arith.index_cast %swap3A_616 : i32 to index
      %swap3A_618 = arith.constant 112 : index
      %swap3A_619 = tpu.vector_load %arg7[%swap3A_617, %swap3A_618] {strides = array<i32>} : memref<4x128xi32, #tpu.memory_space<vmem>>, vector<16xi32>,
      tpu.vector_store %arg7[%swap3A_617, %swap3A_618], %add3A_615 {strides = array<i32>} : memref<4x128xi32, #tpu.memory_space<vmem>>, vector<16xi32>,
      %dma_start3A = arith.constant 0 : i32
      %dma_start3A_620 = arith.constant 0 : i32
      %dma_start3A_621 = arith.constant 0 : i32
      %dma_start3A_622 = tpu.memref_slice %arg8[%dma_start3A_620, %dma_start3A_621] : memref<512x16xf32, #tpu.memory_space<vmem>> -> memref<128x16xf32, #tpu.memory_space<vmem>>
      %dma_start3A_623 = arith.constant 0 : i32
      %dma_start3A_624 = tpu.memref_slice %arg6[%dma_start3A, %dma_start3A_623] : memref<4x128xi32, #tpu.memory_space<vmem>> -> memref<1x128xi32, #tpu.memory_space<vmem>>
      %dma_start3A_625 = tpu.memref_squeeze %dma_start3A_624 : memref<1x128xi32, #tpu.memory_space<vmem>> -> memref<128xi32, #tpu.memory_space<vmem>>
      %dma_start3A_626 = arith.constant 0 : i32
      %dma_start3A_627 = arith.constant 0 : i32
      %dma_start3A_628 = tpu.memref_slice %arg3[%scan3A_8, %dma_start3A_626, %dma_start3A_627] : memref<26x100000x16xf32, #tpu.memory_space<hbm>> -> memref<1x100000x16xf32, #tpu.memory_space<hbm>>
      %dma_start3A_629 = tpu.memref_squeeze %dma_start3A_628 : memref<1x100000x16xf32, #tpu.memory_space<hbm>> -> memref<100000x16xf32, #tpu.memory_space<hbm>>
      %dma_start3A_630 = arith.constant 0 : i32
      %dma_start3A_631 = arith.constant 0 : i32
      %dma_start3A_632 = tpu.memref_slice %dma_start3A_629[%dma_start3A_630, %dma_start3A_631] : memref<100000x16xf32, #tpu.memory_space<hbm>> -> memref<100000x16xf32, #tpu.memory_space<hbm>>
      tpu.enqueue_indirect_dma source(%dma_start3A_632 : memref<100000x16xf32, #tpu.memory_space<hbm>>) target(%dma_start3A_622 : memref<128x16xf32, #tpu.memory_space<vmem>>) offsets(%dma_start3A_625 : memref<128xi32, #tpu.memory_space<vmem>>) semaphore(%arg9 : memref<!tpu.dma_semaphore, #tpu.memory_space<semaphore_mem>>)
      %dma_start3A_633 = arith.constant 1 : i32
      %dma_start3A_634 = arith.constant 128 : i32
      %dma_start3A_635 = arith.constant 0 : i32
      %dma_start3A_636 = tpu.memref_slice %arg8[%dma_start3A_634, %dma_start3A_635] : memref<512x16xf32, #tpu.memory_space<vmem>> -> memref<128x16xf32, #tpu.memory_space<vmem>>
      %dma_start3A_637 = arith.constant 0 : i32
      %dma_start3A_638 = tpu.memref_slice %arg6[%dma_start3A_633, %dma_start3A_637] : memref<4x128xi32, #tpu.memory_space<vmem>> -> memref<1x128xi32, #tpu.memory_space<vmem>>
      %dma_start3A_639 = tpu.memref_squeeze %dma_start3A_638 : memref<1x128xi32, #tpu.memory_space<vmem>> -> memref<128xi32, #tpu.memory_space<vmem>>
      %dma_start3A_640 = arith.constant 0 : i32
      %dma_start3A_641 = arith.constant 0 : i32
      %dma_start3A_642 = tpu.memref_slice %arg3[%scan3A_8, %dma_start3A_640, %dma_start3A_641] : memref<26x100000x16xf32, #tpu.memory_space<hbm>> -> memref<1x100000x16xf32, #tpu.memory_space<hbm>>
      %dma_start3A_643 = tpu.memref_squeeze %dma_start3A_642 : memref<1x100000x16xf32, #tpu.memory_space<hbm>> -> memref<100000x16xf32, #tpu.memory_space<hbm>>
      %dma_start3A_644 = arith.constant 0 : i32
      %dma_start3A_645 = arith.constant 0 : i32
      %dma_start3A_646 = tpu.memref_slice %dma_start3A_643[%dma_start3A_644, %dma_start3A_645] : memref<100000x16xf32, #tpu.memory_space<hbm>> -> memref<100000x16xf32, #tpu.memory_space<hbm>>
      tpu.enqueue_indirect_dma source(%dma_start3A_646 : memref<100000x16xf32, #tpu.memory_space<hbm>>) target(%dma_start3A_636 : memref<128x16xf32, #tpu.memory_space<vmem>>) offsets(%dma_start3A_639 : memref<128xi32, #tpu.memory_space<vmem>>) semaphore(%arg9 : memref<!tpu.dma_semaphore, #tpu.memory_space<semaphore_mem>>)
      %dma_start3A_647 = arith.constant 2 : i32
      %dma_start3A_648 = arith.constant 256 : i32
      %dma_start3A_649 = arith.constant 0 : i32
      %dma_start3A_650 = tpu.memref_slice %arg8[%dma_start3A_648, %dma_start3A_649] : memref<512x16xf32, #tpu.memory_space<vmem>> -> memref<128x16xf32, #tpu.memory_space<vmem>>
      %dma_start3A_651 = arith.constant 0 : i32
      %dma_start3A_652 = tpu.memref_slice %arg6[%dma_start3A_647, %dma_start3A_651] : memref<4x128xi32, #tpu.memory_space<vmem>> -> memref<1x128xi32, #tpu.memory_space<vmem>>
      %dma_start3A_653 = tpu.memref_squeeze %dma_start3A_652 : memref<1x128xi32, #tpu.memory_space<vmem>> -> memref<128xi32, #tpu.memory_space<vmem>>
      %dma_start3A_654 = arith.constant 0 : i32
      %dma_start3A_655 = arith.constant 0 : i32
      %dma_start3A_656 = tpu.memref_slice %arg3[%scan3A_8, %dma_start3A_654, %dma_start3A_655] : memref<26x100000x16xf32, #tpu.memory_space<hbm>> -> memref<1x100000x16xf32, #tpu.memory_space<hbm>>
      %dma_start3A_657 = tpu.memref_squeeze %dma_start3A_656 : memref<1x100000x16xf32, #tpu.memory_space<hbm>> -> memref<100000x16xf32, #tpu.memory_space<hbm>>
      %dma_start3A_658 = arith.constant 0 : i32
      %dma_start3A_659 = arith.constant 0 : i32
      %dma_start3A_660 = tpu.memref_slice %dma_start3A_657[%dma_start3A_658, %dma_start3A_659] : memref<100000x16xf32, #tpu.memory_space<hbm>> -> memref<100000x16xf32, #tpu.memory_space<hbm>>
      tpu.enqueue_indirect_dma source(%dma_start3A_660 : memref<100000x16xf32, #tpu.memory_space<hbm>>) target(%dma_start3A_650 : memref<128x16xf32, #tpu.memory_space<vmem>>) offsets(%dma_start3A_653 : memref<128xi32, #tpu.memory_space<vmem>>) semaphore(%arg9 : memref<!tpu.dma_semaphore, #tpu.memory_space<semaphore_mem>>)
      %dma_start3A_661 = arith.constant 3 : i32
      %dma_start3A_662 = arith.constant 384 : i32
      %dma_start3A_663 = arith.constant 0 : i32
      %dma_start3A_664 = tpu.memref_slice %arg8[%dma_start3A_662, %dma_start3A_663] : memref<512x16xf32, #tpu.memory_space<vmem>> -> memref<128x16xf32, #tpu.memory_space<vmem>>
      %dma_start3A_665 = arith.constant 0 : i32
      %dma_start3A_666 = tpu.memref_slice %arg6[%dma_start3A_661, %dma_start3A_665] : memref<4x128xi32, #tpu.memory_space<vmem>> -> memref<1x128xi32, #tpu.memory_space<vmem>>
      %dma_start3A_667 = tpu.memref_squeeze %dma_start3A_666 : memref<1x128xi32, #tpu.memory_space<vmem>> -> memref<128xi32, #tpu.memory_space<vmem>>
      %dma_start3A_668 = arith.constant 0 : i32
      %dma_start3A_669 = arith.constant 0 : i32
      %dma_start3A_670 = tpu.memref_slice %arg3[%scan3A_8, %dma_start3A_668, %dma_start3A_669] : memref<26x100000x16xf32, #tpu.memory_space<hbm>> -> memref<1x100000x16xf32, #tpu.memory_space<hbm>>
      %dma_start3A_671 = tpu.memref_squeeze %dma_start3A_670 : memref<1x100000x16xf32, #tpu.memory_space<hbm>> -> memref<100000x16xf32, #tpu.memory_space<hbm>>
      %dma_start3A_672 = arith.constant 0 : i32
      %dma_start3A_673 = arith.constant 0 : i32
      %dma_start3A_674 = tpu.memref_slice %dma_start3A_671[%dma_start3A_672, %dma_start3A_673] : memref<100000x16xf32, #tpu.memory_space<hbm>> -> memref<100000x16xf32, #tpu.memory_space<hbm>>
      tpu.enqueue_indirect_dma source(%dma_start3A_674 : memref<100000x16xf32, #tpu.memory_space<hbm>>) target(%dma_start3A_664 : memref<128x16xf32, #tpu.memory_space<vmem>>) offsets(%dma_start3A_667 : memref<128xi32, #tpu.memory_space<vmem>>) semaphore(%arg9 : memref<!tpu.dma_semaphore, #tpu.memory_space<semaphore_mem>>)
      %dma_wait3A = arith.constant 0 : i32
      %dma_wait3A_675 = arith.constant 0 : i32
      %dma_wait3A_676 = arith.constant 0 : i32
      %dma_wait3A_677 = tpu.memref_slice %arg8[%dma_wait3A_675, %dma_wait3A_676] : memref<512x16xf32, #tpu.memory_space<vmem>> -> memref<128x16xf32, #tpu.memory_space<vmem>>
      %dma_wait3A_678 = arith.constant 0 : i32
      %dma_wait3A_679 = tpu.memref_slice %arg6[%dma_wait3A, %dma_wait3A_678] : memref<4x128xi32, #tpu.memory_space<vmem>> -> memref<1x128xi32, #tpu.memory_space<vmem>>
      %dma_wait3A_680 = tpu.memref_squeeze %dma_wait3A_679 : memref<1x128xi32, #tpu.memory_space<vmem>> -> memref<128xi32, #tpu.memory_space<vmem>>
      %dma_wait3A_681 = arith.constant 0 : i32
      %dma_wait3A_682 = arith.constant 0 : i32
      %dma_wait3A_683 = tpu.memref_slice %arg3[%scan3A_8, %dma_wait3A_681, %dma_wait3A_682] : memref<26x100000x16xf32, #tpu.memory_space<hbm>> -> memref<1x100000x16xf32, #tpu.memory_space<hbm>>
      %dma_wait3A_684 = tpu.memref_squeeze %dma_wait3A_683 : memref<1x100000x16xf32, #tpu.memory_space<hbm>> -> memref<100000x16xf32, #tpu.memory_space<hbm>>
      %dma_wait3A_685 = arith.constant 0 : i32
      %dma_wait3A_686 = arith.constant 0 : i32
      %dma_wait3A_687 = tpu.memref_slice %dma_wait3A_684[%dma_wait3A_685, %dma_wait3A_686] : memref<100000x16xf32, #tpu.memory_space<hbm>> -> memref<100000x16xf32, #tpu.memory_space<hbm>>
      tpu.wait_indirect_dma semaphore(%arg9 : memref<!tpu.dma_semaphore, #tpu.memory_space<semaphore_mem>>) src(%dma_wait3A_687 : memref<100000x16xf32, #tpu.memory_space<hbm>>) dst(%dma_wait3A_677 : memref<128x16xf32, #tpu.memory_space<vmem>>)
      %dma_wait3A_688 = arith.constant 1 : i32
      %dma_wait3A_689 = arith.constant 128 : i32
      %dma_wait3A_690 = arith.constant 0 : i32
      %dma_wait3A_691 = tpu.memref_slice %arg8[%dma_wait3A_689, %dma_wait3A_690] : memref<512x16xf32, #tpu.memory_space<vmem>> -> memref<128x16xf32, #tpu.memory_space<vmem>>
      %dma_wait3A_692 = arith.constant 0 : i32
      %dma_wait3A_693 = tpu.memref_slice %arg6[%dma_wait3A_688, %dma_wait3A_692] : memref<4x128xi32, #tpu.memory_space<vmem>> -> memref<1x128xi32, #tpu.memory_space<vmem>>
      %dma_wait3A_694 = tpu.memref_squeeze %dma_wait3A_693 : memref<1x128xi32, #tpu.memory_space<vmem>> -> memref<128xi32, #tpu.memory_space<vmem>>
      %dma_wait3A_695 = arith.constant 0 : i32
      %dma_wait3A_696 = arith.constant 0 : i32
      %dma_wait3A_697 = tpu.memref_slice %arg3[%scan3A_8, %dma_wait3A_695, %dma_wait3A_696] : memref<26x100000x16xf32, #tpu.memory_space<hbm>> -> memref<1x100000x16xf32, #tpu.memory_space<hbm>>
      %dma_wait3A_698 = tpu.memref_squeeze %dma_wait3A_697 : memref<1x100000x16xf32, #tpu.memory_space<hbm>> -> memref<100000x16xf32, #tpu.memory_space<hbm>>
      %dma_wait3A_699 = arith.constant 0 : i32
      %dma_wait3A_700 = arith.constant 0 : i32
      %dma_wait3A_701 = tpu.memref_slice %dma_wait3A_698[%dma_wait3A_699, %dma_wait3A_700] : memref<100000x16xf32, #tpu.memory_space<hbm>> -> memref<100000x16xf32, #tpu.memory_space<hbm>>
      tpu.wait_indirect_dma semaphore(%arg9 : memref<!tpu.dma_semaphore, #tpu.memory_space<semaphore_mem>>) src(%dma_wait3A_701 : memref<100000x16xf32, #tpu.memory_space<hbm>>) dst(%dma_wait3A_691 : memref<128x16xf32, #tpu.memory_space<vmem>>)
      %dma_wait3A_702 = arith.constant 2 : i32
      %dma_wait3A_703 = arith.constant 256 : i32
      %dma_wait3A_704 = arith.constant 0 : i32
      %dma_wait3A_705 = tpu.memref_slice %arg8[%dma_wait3A_703, %dma_wait3A_704] : memref<512x16xf32, #tpu.memory_space<vmem>> -> memref<128x16xf32, #tpu.memory_space<vmem>>
      %dma_wait3A_706 = arith.constant 0 : i32
      %dma_wait3A_707 = tpu.memref_slice %arg6[%dma_wait3A_702, %dma_wait3A_706] : memref<4x128xi32, #tpu.memory_space<vmem>> -> memref<1x128xi32, #tpu.memory_space<vmem>>
      %dma_wait3A_708 = tpu.memref_squeeze %dma_wait3A_707 : memref<1x128xi32, #tpu.memory_space<vmem>> -> memref<128xi32, #tpu.memory_space<vmem>>
      %dma_wait3A_709 = arith.constant 0 : i32
      %dma_wait3A_710 = arith.constant 0 : i32
      %dma_wait3A_711 = tpu.memref_slice %arg3[%scan3A_8, %dma_wait3A_709, %dma_wait3A_710] : memref<26x100000x16xf32, #tpu.memory_space<hbm>> -> memref<1x100000x16xf32, #tpu.memory_space<hbm>>
      %dma_wait3A_712 = tpu.memref_squeeze %dma_wait3A_711 : memref<1x100000x16xf32, #tpu.memory_space<hbm>> -> memref<100000x16xf32, #tpu.memory_space<hbm>>
      %dma_wait3A_713 = arith.constant 0 : i32
      %dma_wait3A_714 = arith.constant 0 : i32
      %dma_wait3A_715 = tpu.memref_slice %dma_wait3A_712[%dma_wait3A_713, %dma_wait3A_714] : memref<100000x16xf32, #tpu.memory_space<hbm>> -> memref<100000x16xf32, #tpu.memory_space<hbm>>
      tpu.wait_indirect_dma semaphore(%arg9 : memref<!tpu.dma_semaphore, #tpu.memory_space<semaphore_mem>>) src(%dma_wait3A_715 : memref<100000x16xf32, #tpu.memory_space<hbm>>) dst(%dma_wait3A_705 : memref<128x16xf32, #tpu.memory_space<vmem>>)
      %dma_wait3A_716 = arith.constant 3 : i32
      %dma_wait3A_717 = arith.constant 384 : i32
      %dma_wait3A_718 = arith.constant 0 : i32
      %dma_wait3A_719 = tpu.memref_slice %arg8[%dma_wait3A_717, %dma_wait3A_718] : memref<512x16xf32, #tpu.memory_space<vmem>> -> memref<128x16xf32, #tpu.memory_space<vmem>>
      %dma_wait3A_720 = arith.constant 0 : i32
      %dma_wait3A_721 = tpu.memref_slice %arg6[%dma_wait3A_716, %dma_wait3A_720] : memref<4x128xi32, #tpu.memory_space<vmem>> -> memref<1x128xi32, #tpu.memory_space<vmem>>
      %dma_wait3A_722 = tpu.memref_squeeze %dma_wait3A_721 : memref<1x128xi32, #tpu.memory_space<vmem>> -> memref<128xi32, #tpu.memory_space<vmem>>
      %dma_wait3A_723 = arith.constant 0 : i32
      %dma_wait3A_724 = arith.constant 0 : i32
      %dma_wait3A_725 = tpu.memref_slice %arg3[%scan3A_8, %dma_wait3A_723, %dma_wait3A_724] : memref<26x100000x16xf32, #tpu.memory_space<hbm>> -> memref<1x100000x16xf32, #tpu.memory_space<hbm>>
      %dma_wait3A_726 = tpu.memref_squeeze %dma_wait3A_725 : memref<1x100000x16xf32, #tpu.memory_space<hbm>> -> memref<100000x16xf32, #tpu.memory_space<hbm>>
      %dma_wait3A_727 = arith.constant 0 : i32
      %dma_wait3A_728 = arith.constant 0 : i32
      %dma_wait3A_729 = tpu.memref_slice %dma_wait3A_726[%dma_wait3A_727, %dma_wait3A_728] : memref<100000x16xf32, #tpu.memory_space<hbm>> -> memref<100000x16xf32, #tpu.memory_space<hbm>>
      tpu.wait_indirect_dma semaphore(%arg9 : memref<!tpu.dma_semaphore, #tpu.memory_space<semaphore_mem>>) src(%dma_wait3A_729 : memref<100000x16xf32, #tpu.memory_space<hbm>>) dst(%dma_wait3A_719 : memref<128x16xf32, #tpu.memory_space<vmem>>)
      %dma_start3A_730 = arith.constant 0 : i32
      %dma_start3A_731 = arith.constant 0 : i32
      %dma_start3A_732 = arith.constant 0 : i32
      %dma_start3A_733 = tpu.memref_slice %arg8[%dma_start3A_731, %dma_start3A_732] : memref<512x16xf32, #tpu.memory_space<vmem>> -> memref<128x16xf32, #tpu.memory_space<vmem>>
      %dma_start3A_734 = arith.constant 0 : i32
      %dma_start3A_735 = tpu.memref_slice %arg7[%dma_start3A_730, %dma_start3A_734] : memref<4x128xi32, #tpu.memory_space<vmem>> -> memref<1x128xi32, #tpu.memory_space<vmem>>
      %dma_start3A_736 = tpu.memref_squeeze %dma_start3A_735 : memref<1x128xi32, #tpu.memory_space<vmem>> -> memref<128xi32, #tpu.memory_space<vmem>>
      %dma_start3A_737 = arith.constant 0 : i32
      %dma_start3A_738 = arith.constant 0 : i32
      %dma_start3A_739 = tpu.memref_slice %arg4[%dma_start3A_737, %dma_start3A_738] : memref<524288x16xf32, #tpu.memory_space<hbm>> -> memref<524288x16xf32, #tpu.memory_space<hbm>>
      tpu.enqueue_indirect_dma source(%dma_start3A_733 : memref<128x16xf32, #tpu.memory_space<vmem>>) target(%dma_start3A_739 : memref<524288x16xf32, #tpu.memory_space<hbm>>) offsets(%dma_start3A_736 : memref<128xi32, #tpu.memory_space<vmem>>) semaphore(%arg10 : memref<!tpu.dma_semaphore, #tpu.memory_space<semaphore_mem>>)
      %dma_start3A_740 = arith.constant 1 : i32
      %dma_start3A_741 = arith.constant 128 : i32
      %dma_start3A_742 = arith.constant 0 : i32
      %dma_start3A_743 = tpu.memref_slice %arg8[%dma_start3A_741, %dma_start3A_742] : memref<512x16xf32, #tpu.memory_space<vmem>> -> memref<128x16xf32, #tpu.memory_space<vmem>>
      %dma_start3A_744 = arith.constant 0 : i32
      %dma_start3A_745 = tpu.memref_slice %arg7[%dma_start3A_740, %dma_start3A_744] : memref<4x128xi32, #tpu.memory_space<vmem>> -> memref<1x128xi32, #tpu.memory_space<vmem>>
      %dma_start3A_746 = tpu.memref_squeeze %dma_start3A_745 : memref<1x128xi32, #tpu.memory_space<vmem>> -> memref<128xi32, #tpu.memory_space<vmem>>
      %dma_start3A_747 = arith.constant 0 : i32
      %dma_start3A_748 = arith.constant 0 : i32
      %dma_start3A_749 = tpu.memref_slice %arg4[%dma_start3A_747, %dma_start3A_748] : memref<524288x16xf32, #tpu.memory_space<hbm>> -> memref<524288x16xf32, #tpu.memory_space<hbm>>
      tpu.enqueue_indirect_dma source(%dma_start3A_743 : memref<128x16xf32, #tpu.memory_space<vmem>>) target(%dma_start3A_749 : memref<524288x16xf32, #tpu.memory_space<hbm>>) offsets(%dma_start3A_746 : memref<128xi32, #tpu.memory_space<vmem>>) semaphore(%arg10 : memref<!tpu.dma_semaphore, #tpu.memory_space<semaphore_mem>>)
      %dma_start3A_750 = arith.constant 2 : i32
      %dma_start3A_751 = arith.constant 256 : i32
      %dma_start3A_752 = arith.constant 0 : i32
      %dma_start3A_753 = tpu.memref_slice %arg8[%dma_start3A_751, %dma_start3A_752] : memref<512x16xf32, #tpu.memory_space<vmem>> -> memref<128x16xf32, #tpu.memory_space<vmem>>
      %dma_start3A_754 = arith.constant 0 : i32
      %dma_start3A_755 = tpu.memref_slice %arg7[%dma_start3A_750, %dma_start3A_754] : memref<4x128xi32, #tpu.memory_space<vmem>> -> memref<1x128xi32, #tpu.memory_space<vmem>>
      %dma_start3A_756 = tpu.memref_squeeze %dma_start3A_755 : memref<1x128xi32, #tpu.memory_space<vmem>> -> memref<128xi32, #tpu.memory_space<vmem>>
      %dma_start3A_757 = arith.constant 0 : i32
      %dma_start3A_758 = arith.constant 0 : i32
      %dma_start3A_759 = tpu.memref_slice %arg4[%dma_start3A_757, %dma_start3A_758] : memref<524288x16xf32, #tpu.memory_space<hbm>> -> memref<524288x16xf32, #tpu.memory_space<hbm>>
      tpu.enqueue_indirect_dma source(%dma_start3A_753 : memref<128x16xf32, #tpu.memory_space<vmem>>) target(%dma_start3A_759 : memref<524288x16xf32, #tpu.memory_space<hbm>>) offsets(%dma_start3A_756 : memref<128xi32, #tpu.memory_space<vmem>>) semaphore(%arg10 : memref<!tpu.dma_semaphore, #tpu.memory_space<semaphore_mem>>)
      %dma_start3A_760 = arith.constant 3 : i32
      %dma_start3A_761 = arith.constant 384 : i32
      %dma_start3A_762 = arith.constant 0 : i32
      %dma_start3A_763 = tpu.memref_slice %arg8[%dma_start3A_761, %dma_start3A_762] : memref<512x16xf32, #tpu.memory_space<vmem>> -> memref<128x16xf32, #tpu.memory_space<vmem>>
      %dma_start3A_764 = arith.constant 0 : i32
      %dma_start3A_765 = tpu.memref_slice %arg7[%dma_start3A_760, %dma_start3A_764] : memref<4x128xi32, #tpu.memory_space<vmem>> -> memref<1x128xi32, #tpu.memory_space<vmem>>
      %dma_start3A_766 = tpu.memref_squeeze %dma_start3A_765 : memref<1x128xi32, #tpu.memory_space<vmem>> -> memref<128xi32, #tpu.memory_space<vmem>>
      %dma_start3A_767 = arith.constant 0 : i32
      %dma_start3A_768 = arith.constant 0 : i32
      %dma_start3A_769 = tpu.memref_slice %arg4[%dma_start3A_767, %dma_start3A_768] : memref<524288x16xf32, #tpu.memory_space<hbm>> -> memref<524288x16xf32, #tpu.memory_space<hbm>>
      tpu.enqueue_indirect_dma source(%dma_start3A_763 : memref<128x16xf32, #tpu.memory_space<vmem>>) target(%dma_start3A_769 : memref<524288x16xf32, #tpu.memory_space<hbm>>) offsets(%dma_start3A_766 : memref<128xi32, #tpu.memory_space<vmem>>) semaphore(%arg10 : memref<!tpu.dma_semaphore, #tpu.memory_space<semaphore_mem>>)
      %dma_wait3A_770 = arith.constant 0 : i32
      %dma_wait3A_771 = arith.constant 0 : i32
      %dma_wait3A_772 = arith.constant 0 : i32
      %dma_wait3A_773 = tpu.memref_slice %arg8[%dma_wait3A_771, %dma_wait3A_772] : memref<512x16xf32, #tpu.memory_space<vmem>> -> memref<128x16xf32, #tpu.memory_space<vmem>>
      %dma_wait3A_774 = arith.constant 0 : i32
      %dma_wait3A_775 = tpu.memref_slice %arg7[%dma_wait3A_770, %dma_wait3A_774] : memref<4x128xi32, #tpu.memory_space<vmem>> -> memref<1x128xi32, #tpu.memory_space<vmem>>
      %dma_wait3A_776 = tpu.memref_squeeze %dma_wait3A_775 : memref<1x128xi32, #tpu.memory_space<vmem>> -> memref<128xi32, #tpu.memory_space<vmem>>
      %dma_wait3A_777 = arith.constant 0 : i32
      %dma_wait3A_778 = arith.constant 0 : i32
      %dma_wait3A_779 = tpu.memref_slice %arg4[%dma_wait3A_777, %dma_wait3A_778] : memref<524288x16xf32, #tpu.memory_space<hbm>> -> memref<524288x16xf32, #tpu.memory_space<hbm>>
      tpu.wait_indirect_dma semaphore(%arg10 : memref<!tpu.dma_semaphore, #tpu.memory_space<semaphore_mem>>) src(%dma_wait3A_773 : memref<128x16xf32, #tpu.memory_space<vmem>>) dst(%dma_wait3A_779 : memref<524288x16xf32, #tpu.memory_space<hbm>>)
      %dma_wait3A_780 = arith.constant 1 : i32
      %dma_wait3A_781 = arith.constant 128 : i32
      %dma_wait3A_782 = arith.constant 0 : i32
      %dma_wait3A_783 = tpu.memref_slice %arg8[%dma_wait3A_781, %dma_wait3A_782] : memref<512x16xf32, #tpu.memory_space<vmem>> -> memref<128x16xf32, #tpu.memory_space<vmem>>
      %dma_wait3A_784 = arith.constant 0 : i32
      %dma_wait3A_785 = tpu.memref_slice %arg7[%dma_wait3A_780, %dma_wait3A_784] : memref<4x128xi32, #tpu.memory_space<vmem>> -> memref<1x128xi32, #tpu.memory_space<vmem>>
      %dma_wait3A_786 = tpu.memref_squeeze %dma_wait3A_785 : memref<1x128xi32, #tpu.memory_space<vmem>> -> memref<128xi32, #tpu.memory_space<vmem>>
      %dma_wait3A_787 = arith.constant 0 : i32
      %dma_wait3A_788 = arith.constant 0 : i32
      %dma_wait3A_789 = tpu.memref_slice %arg4[%dma_wait3A_787, %dma_wait3A_788] : memref<524288x16xf32, #tpu.memory_space<hbm>> -> memref<524288x16xf32, #tpu.memory_space<hbm>>
      tpu.wait_indirect_dma semaphore(%arg10 : memref<!tpu.dma_semaphore, #tpu.memory_space<semaphore_mem>>) src(%dma_wait3A_783 : memref<128x16xf32, #tpu.memory_space<vmem>>) dst(%dma_wait3A_789 : memref<524288x16xf32, #tpu.memory_space<hbm>>)
      %dma_wait3A_790 = arith.constant 2 : i32
      %dma_wait3A_791 = arith.constant 256 : i32
      %dma_wait3A_792 = arith.constant 0 : i32
      %dma_wait3A_793 = tpu.memref_slice %arg8[%dma_wait3A_791, %dma_wait3A_792] : memref<512x16xf32, #tpu.memory_space<vmem>> -> memref<128x16xf32, #tpu.memory_space<vmem>>
      %dma_wait3A_794 = arith.constant 0 : i32
      %dma_wait3A_795 = tpu.memref_slice %arg7[%dma_wait3A_790, %dma_wait3A_794] : memref<4x128xi32, #tpu.memory_space<vmem>> -> memref<1x128xi32, #tpu.memory_space<vmem>>
      %dma_wait3A_796 = tpu.memref_squeeze %dma_wait3A_795 : memref<1x128xi32, #tpu.memory_space<vmem>> -> memref<128xi32, #tpu.memory_space<vmem>>
      %dma_wait3A_797 = arith.constant 0 : i32
      %dma_wait3A_798 = arith.constant 0 : i32
      %dma_wait3A_799 = tpu.memref_slice %arg4[%dma_wait3A_797, %dma_wait3A_798] : memref<524288x16xf32, #tpu.memory_space<hbm>> -> memref<524288x16xf32, #tpu.memory_space<hbm>>
      tpu.wait_indirect_dma semaphore(%arg10 : memref<!tpu.dma_semaphore, #tpu.memory_space<semaphore_mem>>) src(%dma_wait3A_793 : memref<128x16xf32, #tpu.memory_space<vmem>>) dst(%dma_wait3A_799 : memref<524288x16xf32, #tpu.memory_space<hbm>>)
      %dma_wait3A_800 = arith.constant 3 : i32
      %dma_wait3A_801 = arith.constant 384 : i32
      %dma_wait3A_802 = arith.constant 0 : i32
      %dma_wait3A_803 = tpu.memref_slice %arg8[%dma_wait3A_801, %dma_wait3A_802] : memref<512x16xf32, #tpu.memory_space<vmem>> -> memref<128x16xf32, #tpu.memory_space<vmem>>
      %dma_wait3A_804 = arith.constant 0 : i32
      %dma_wait3A_805 = tpu.memref_slice %arg7[%dma_wait3A_800, %dma_wait3A_804] : memref<4x128xi32, #tpu.memory_space<vmem>> -> memref<1x128xi32, #tpu.memory_space<vmem>>
      %dma_wait3A_806 = tpu.memref_squeeze %dma_wait3A_805 : memref<1x128xi32, #tpu.memory_space<vmem>> -> memref<128xi32, #tpu.memory_space<vmem>>
      %dma_wait3A_807 = arith.constant 0 : i32
      %dma_wait3A_808 = arith.constant 0 : i32
      %dma_wait3A_809 = tpu.memref_slice %arg4[%dma_wait3A_807, %dma_wait3A_808] : memref<524288x16xf32, #tpu.memory_space<hbm>> -> memref<524288x16xf32, #tpu.memory_space<hbm>>
      tpu.wait_indirect_dma semaphore(%arg10 : memref<!tpu.dma_semaphore, #tpu.memory_space<semaphore_mem>>) src(%dma_wait3A_803 : memref<128x16xf32, #tpu.memory_space<vmem>>) dst(%dma_wait3A_809 : memref<524288x16xf32, #tpu.memory_space<hbm>>)
    }
    %scan3A_7 = arith.constant 26 : i32
    return
  }
}

module attributes {stable_mosaic.version = 14 : i64} {
  func.func @_mlp_body(%arg0: i32, %arg1: memref<2048x13xf32, #tpu.memory_space<vmem>>, %arg2: memref<4x2048x128xf32, #tpu.memory_space<vmem>>, %arg3: memref<13x256xf32, #tpu.memory_space<vmem>>, %arg4: memref<512x256xf32, #tpu.memory_space<vmem>>, %arg5: memref<1x256xf32, #tpu.memory_space<vmem>>, %arg6: memref<256x128xf32, #tpu.memory_space<vmem>>, %arg7: memref<1x128xf32, #tpu.memory_space<vmem>>, %arg8: memref<128x64xf32, #tpu.memory_space<vmem>>, %arg9: memref<1x64xf32, #tpu.memory_space<vmem>>, %arg10: memref<64x1xf32, #tpu.memory_space<vmem>>, %arg11: memref<1x1xf32, #tpu.memory_space<vmem>>, %arg12: memref<13x1xf32, #tpu.memory_space<vmem>>, %arg13: memref<512x1xf32, #tpu.memory_space<vmem>>, %arg14: memref<1x1xf32, #tpu.memory_space<vmem>>, %arg15: memref<2048x1xf32, #tpu.memory_space<vmem>>) attributes {dimension_semantics = [#tpu.dimension_semantics<arbitrary>], iteration_bounds = array<i64: 8>, scalar_prefetch = 0 : i64, scratch_operands = 0 : i64, tpu.core_type = #tpu.core_type<tc>, window_params = [{transform_indices = @transform_0, window_bounds = array<i64: 2048, 13>}, {transform_indices = @transform_1, window_bounds = array<i64: 4, 2048, 128>}, {pipeline_mode = #tpu.pipeline_mode<synchronous>, transform_indices = @transform_2, window_bounds = array<i64: 13, 256>}, {pipeline_mode = #tpu.pipeline_mode<synchronous>, transform_indices = @transform_3, window_bounds = array<i64: 512, 256>}, {pipeline_mode = #tpu.pipeline_mode<synchronous>, transform_indices = @transform_4, window_bounds = array<i64: 1, 256>}, {pipeline_mode = #tpu.pipeline_mode<synchronous>, transform_indices = @transform_5, window_bounds = array<i64: 256, 128>}, {pipeline_mode = #tpu.pipeline_mode<synchronous>, transform_indices = @transform_6, window_bounds = array<i64: 1, 128>}, {pipeline_mode = #tpu.pipeline_mode<synchronous>, transform_indices = @transform_7, window_bounds = array<i64: 128, 64>}, {pipeline_mode = #tpu.pipeline_mode<synchronous>, transform_indices = @transform_8, window_bounds = array<i64: 1, 64>}, {pipeline_mode = #tpu.pipeline_mode<synchronous>, transform_indices = @transform_9, window_bounds = array<i64: 64, 1>}, {pipeline_mode = #tpu.pipeline_mode<synchronous>, transform_indices = @transform_10, window_bounds = array<i64: 1, 1>}, {pipeline_mode = #tpu.pipeline_mode<synchronous>, transform_indices = @transform_11, window_bounds = array<i64: 13, 1>}, {pipeline_mode = #tpu.pipeline_mode<synchronous>, transform_indices = @transform_12, window_bounds = array<i64: 512, 1>}, {pipeline_mode = #tpu.pipeline_mode<synchronous>, transform_indices = @transform_13, window_bounds = array<i64: 1, 1>}, {transform_indices = @transform_14, window_bounds = array<i64: 2048, 1>}]} {
    %get3A = arith.constant 0 : index
    %get3A_0 = arith.constant 0 : index
    %get3A_1 = vector.load %arg1[%get3A, %get3A_0] : memref<2048x13xf32, #tpu.memory_space<vmem>>, vector<2048x13xf32>
    %iota3A = tpu.iota {dimensions = array<i32: 1>} : vector<2048x128xi32>
    %get3A_2 = arith.constant 0 : index
    %get3A_3 = arith.constant 0 : index
    %get3A_4 = vector.load %arg3[%get3A_2, %get3A_3] : memref<13x256xf32, #tpu.memory_space<vmem>>, vector<13x256xf32>
    %dot_general3A = arith.constant dense<0.000000e+00> : vector<2048x256xf32>
    %dot_general3A_5 = tpu.matmul %get3A_1, %get3A_4, %dot_general3A {dimension_numbers = #tpu.dot_dimension_numbers<[1], [0], [0], [1], [0, 0, 1, 1], [], []>, transpose_lhs_hint = false} : vector<2048x13xf32>, vector<13x256xf32>, vector<2048x256xf32> -> vector<2048x256xf32>
    %get3A_6 = arith.constant 0 : index
    %get3A_7 = arith.constant 0 : index
    %get3A_8 = vector.load %arg5[%get3A_6, %get3A_7] : memref<1x256xf32, #tpu.memory_space<vmem>>, vector<1x256xf32>
    %add3A = vector.broadcast %get3A_8 : vector<1x256xf32> to vector<2048x256xf32>
    %add3A_9 = arith.addf %dot_general3A_5, %add3A : vector<2048x256xf32>
    %get3A_10 = arith.constant 0 : index
    %get3A_11 = arith.constant 0 : index
    %get3A_12 = vector.load %arg12[%get3A_10, %get3A_11] : memref<13x1xf32, #tpu.memory_space<vmem>>, vector<13x1xf32>
    %dot_general3A_13 = arith.constant dense<0.000000e+00> : vector<2048x1xf32>
    %dot_general3A_14 = tpu.matmul %get3A_1, %get3A_12, %dot_general3A_13 {dimension_numbers = #tpu.dot_dimension_numbers<[1], [0], [0], [1], [0, 0, 1, 1], [], []>, transpose_lhs_hint = false} : vector<2048x13xf32>, vector<13x1xf32>, vector<2048x1xf32> -> vector<2048x1xf32>
    %get3A_15 = arith.constant 0 : index
    %get3A_16 = arith.constant 0 : index
    %get3A_17 = vector.load %arg14[%get3A_15, %get3A_16] : memref<1x1xf32, #tpu.memory_space<vmem>>, vector<1x1xf32>
    %add3A_18 = vector.broadcast %get3A_17 : vector<1x1xf32> to vector<2048x1xf32>
    %add3A_19 = arith.addf %dot_general3A_14, %add3A_18 : vector<2048x1xf32>
    %get3A_20 = arith.constant 0 : index
    %get3A_21 = arith.constant 0 : index
    %get3A_22 = arith.constant 0 : index
    %get3A_23 = vector.load %arg2[%get3A_20, %get3A_21, %get3A_22] : memref<4x2048x128xf32, #tpu.memory_space<vmem>>, vector<1x2048x128xf32>
    %get3A_24 = vector.shape_cast %get3A_23 : vector<1x2048x128xf32> to vector<2048x128xf32>
    %get3A_25 = arith.constant 0 : index
    %get3A_26 = arith.constant 0 : index
    %get3A_27 = vector.load %arg4[%get3A_25, %get3A_26] : memref<512x256xf32, #tpu.memory_space<vmem>>, vector<128x256xf32>
    %dot_general3A_28 = arith.constant dense<0.000000e+00> : vector<2048x256xf32>
    %dot_general3A_29 = tpu.matmul %get3A_24, %get3A_27, %dot_general3A_28 {dimension_numbers = #tpu.dot_dimension_numbers<[1], [0], [0], [1], [0, 0, 1, 1], [], []>, transpose_lhs_hint = false} : vector<2048x128xf32>, vector<128x256xf32>, vector<2048x256xf32> -> vector<2048x256xf32>
    %add3A_30 = arith.addf %add3A_9, %dot_general3A_29 : vector<2048x256xf32>
    %get3A_31 = arith.constant 0 : index
    %get3A_32 = arith.constant 0 : index
    %get3A_33 = vector.load %arg13[%get3A_31, %get3A_32] : memref<512x1xf32, #tpu.memory_space<vmem>>, vector<128x1xf32>
    %dot_general3A_34 = arith.constant dense<0.000000e+00> : vector<2048x1xf32>
    %dot_general3A_35 = tpu.matmul %get3A_24, %get3A_33, %dot_general3A_34 {dimension_numbers = #tpu.dot_dimension_numbers<[1], [0], [0], [1], [0, 0, 1, 1], [], []>, transpose_lhs_hint = false} : vector<2048x128xf32>, vector<128x1xf32>, vector<2048x1xf32> -> vector<2048x1xf32>
    %add3A_36 = arith.addf %add3A_19, %dot_general3A_35 : vector<2048x1xf32>
    %get3A_37 = arith.constant 1 : index
    %get3A_38 = arith.constant 0 : index
    %get3A_39 = arith.constant 0 : index
    %get3A_40 = vector.load %arg2[%get3A_37, %get3A_38, %get3A_39] : memref<4x2048x128xf32, #tpu.memory_space<vmem>>, vector<1x2048x128xf32>
    %get3A_41 = vector.shape_cast %get3A_40 : vector<1x2048x128xf32> to vector<2048x128xf32>
    %get3A_42 = arith.constant 128 : index
    %get3A_43 = arith.constant 0 : index
    %get3A_44 = vector.load %arg4[%get3A_42, %get3A_43] : memref<512x256xf32, #tpu.memory_space<vmem>>, vector<128x256xf32>
    %dot_general3A_45 = arith.constant dense<0.000000e+00> : vector<2048x256xf32>
    %dot_general3A_46 = tpu.matmul %get3A_41, %get3A_44, %dot_general3A_45 {dimension_numbers = #tpu.dot_dimension_numbers<[1], [0], [0], [1], [0, 0, 1, 1], [], []>, transpose_lhs_hint = false} : vector<2048x128xf32>, vector<128x256xf32>, vector<2048x256xf32> -> vector<2048x256xf32>
    %add3A_47 = arith.addf %add3A_30, %dot_general3A_46 : vector<2048x256xf32>
    %get3A_48 = arith.constant 128 : index
    %get3A_49 = arith.constant 0 : index
    %get3A_50 = vector.load %arg13[%get3A_48, %get3A_49] : memref<512x1xf32, #tpu.memory_space<vmem>>, vector<128x1xf32>
    %dot_general3A_51 = arith.constant dense<0.000000e+00> : vector<2048x1xf32>
    %dot_general3A_52 = tpu.matmul %get3A_41, %get3A_50, %dot_general3A_51 {dimension_numbers = #tpu.dot_dimension_numbers<[1], [0], [0], [1], [0, 0, 1, 1], [], []>, transpose_lhs_hint = false} : vector<2048x128xf32>, vector<128x1xf32>, vector<2048x1xf32> -> vector<2048x1xf32>
    %add3A_53 = arith.addf %add3A_36, %dot_general3A_52 : vector<2048x1xf32>
    %get3A_54 = arith.constant 2 : index
    %get3A_55 = arith.constant 0 : index
    %get3A_56 = arith.constant 0 : index
    %get3A_57 = vector.load %arg2[%get3A_54, %get3A_55, %get3A_56] : memref<4x2048x128xf32, #tpu.memory_space<vmem>>, vector<1x2048x128xf32>
    %get3A_58 = vector.shape_cast %get3A_57 : vector<1x2048x128xf32> to vector<2048x128xf32>
    %get3A_59 = arith.constant 256 : index
    %get3A_60 = arith.constant 0 : index
    %get3A_61 = vector.load %arg4[%get3A_59, %get3A_60] : memref<512x256xf32, #tpu.memory_space<vmem>>, vector<128x256xf32>
    %dot_general3A_62 = arith.constant dense<0.000000e+00> : vector<2048x256xf32>
    %dot_general3A_63 = tpu.matmul %get3A_58, %get3A_61, %dot_general3A_62 {dimension_numbers = #tpu.dot_dimension_numbers<[1], [0], [0], [1], [0, 0, 1, 1], [], []>, transpose_lhs_hint = false} : vector<2048x128xf32>, vector<128x256xf32>, vector<2048x256xf32> -> vector<2048x256xf32>
    %add3A_64 = arith.addf %add3A_47, %dot_general3A_63 : vector<2048x256xf32>
    %get3A_65 = arith.constant 256 : index
    %get3A_66 = arith.constant 0 : index
    %get3A_67 = vector.load %arg13[%get3A_65, %get3A_66] : memref<512x1xf32, #tpu.memory_space<vmem>>, vector<128x1xf32>
    %dot_general3A_68 = arith.constant dense<0.000000e+00> : vector<2048x1xf32>
    %dot_general3A_69 = tpu.matmul %get3A_58, %get3A_67, %dot_general3A_68 {dimension_numbers = #tpu.dot_dimension_numbers<[1], [0], [0], [1], [0, 0, 1, 1], [], []>, transpose_lhs_hint = false} : vector<2048x128xf32>, vector<128x1xf32>, vector<2048x1xf32> -> vector<2048x1xf32>
    %add3A_70 = arith.addf %add3A_53, %dot_general3A_69 : vector<2048x1xf32>
    %get3A_71 = arith.constant 3 : index
    %get3A_72 = arith.constant 0 : index
    %get3A_73 = arith.constant 0 : index
    %get3A_74 = vector.load %arg2[%get3A_71, %get3A_72, %get3A_73] : memref<4x2048x128xf32, #tpu.memory_space<vmem>>, vector<1x2048x128xf32>
    %get3A_75 = vector.shape_cast %get3A_74 : vector<1x2048x128xf32> to vector<2048x128xf32>
    %lt3A = arith.constant 32 : i32
    %lt3A_76 = vector.broadcast %lt3A : i32 to vector<2048x128xi32>
    %lt3A_77 = arith.cmpi slt, %iota3A, %lt3A_76 : vector<2048x128xi32>
    %jit3A = arith.constant 0.000000e+00 : f32
    %broadcast_in_dim3A = vector.broadcast %jit3A : f32 to vector<2048x128xf32>
    %select_n3A = arith.select %lt3A_77, %get3A_75, %broadcast_in_dim3A : vector<2048x128xi1>, vector<2048x128xf32>
    %get3A_78 = arith.constant 384 : index
    %get3A_79 = arith.constant 0 : index
    %get3A_80 = vector.load %arg4[%get3A_78, %get3A_79] : memref<512x256xf32, #tpu.memory_space<vmem>>, vector<128x256xf32>
    %dot_general3A_81 = arith.constant dense<0.000000e+00> : vector<2048x256xf32>
    %dot_general3A_82 = tpu.matmul %select_n3A, %get3A_80, %dot_general3A_81 {dimension_numbers = #tpu.dot_dimension_numbers<[1], [0], [0], [1], [0, 0, 1, 1], [], []>, transpose_lhs_hint = false} : vector<2048x128xf32>, vector<128x256xf32>, vector<2048x256xf32> -> vector<2048x256xf32>
    %add3A_83 = arith.addf %add3A_64, %dot_general3A_82 : vector<2048x256xf32>
    %get3A_84 = arith.constant 384 : index
    %get3A_85 = arith.constant 0 : index
    %get3A_86 = vector.load %arg13[%get3A_84, %get3A_85] : memref<512x1xf32, #tpu.memory_space<vmem>>, vector<128x1xf32>
    %dot_general3A_87 = arith.constant dense<0.000000e+00> : vector<2048x1xf32>
    %dot_general3A_88 = tpu.matmul %select_n3A, %get3A_86, %dot_general3A_87 {dimension_numbers = #tpu.dot_dimension_numbers<[1], [0], [0], [1], [0, 0, 1, 1], [], []>, transpose_lhs_hint = false} : vector<2048x128xf32>, vector<128x1xf32>, vector<2048x1xf32> -> vector<2048x1xf32>
    %add3A_89 = arith.addf %add3A_70, %dot_general3A_88 : vector<2048x1xf32>
    %max3A = arith.constant 0.000000e+00 : f32
    %max3A_90 = vector.broadcast %max3A : f32 to vector<2048x256xf32>
    %max3A_91 = arith.maximumf %add3A_83, %max3A_90 : vector<2048x256xf32>
    %get3A_92 = arith.constant 0 : index
    %get3A_93 = arith.constant 0 : index
    %get3A_94 = vector.load %arg6[%get3A_92, %get3A_93] : memref<256x128xf32, #tpu.memory_space<vmem>>, vector<256x128xf32>
    %dot_general3A_95 = arith.constant dense<0.000000e+00> : vector<2048x128xf32>
    %dot_general3A_96 = tpu.matmul %max3A_91, %get3A_94, %dot_general3A_95 {dimension_numbers = #tpu.dot_dimension_numbers<[1], [0], [0], [1], [0, 0, 1, 1], [], []>, transpose_lhs_hint = false} : vector<2048x256xf32>, vector<256x128xf32>, vector<2048x128xf32> -> vector<2048x128xf32>
    %get3A_97 = arith.constant 0 : index
    %get3A_98 = arith.constant 0 : index
    %get3A_99 = vector.load %arg7[%get3A_97, %get3A_98] : memref<1x128xf32, #tpu.memory_space<vmem>>, vector<1x128xf32>
    %add3A_100 = vector.broadcast %get3A_99 : vector<1x128xf32> to vector<2048x128xf32>
    %add3A_101 = arith.addf %dot_general3A_96, %add3A_100 : vector<2048x128xf32>
    %max3A_102 = arith.constant 0.000000e+00 : f32
    %max3A_103 = vector.broadcast %max3A_102 : f32 to vector<2048x128xf32>
    %max3A_104 = arith.maximumf %add3A_101, %max3A_103 : vector<2048x128xf32>
    %get3A_105 = arith.constant 0 : index
    %get3A_106 = arith.constant 0 : index
    %get3A_107 = vector.load %arg8[%get3A_105, %get3A_106] : memref<128x64xf32, #tpu.memory_space<vmem>>, vector<128x64xf32>
    %dot_general3A_108 = arith.constant dense<0.000000e+00> : vector<2048x64xf32>
    %dot_general3A_109 = tpu.matmul %max3A_104, %get3A_107, %dot_general3A_108 {dimension_numbers = #tpu.dot_dimension_numbers<[1], [0], [0], [1], [0, 0, 1, 1], [], []>, transpose_lhs_hint = false} : vector<2048x128xf32>, vector<128x64xf32>, vector<2048x64xf32> -> vector<2048x64xf32>
    %get3A_110 = arith.constant 0 : index
    %get3A_111 = arith.constant 0 : index
    %get3A_112 = vector.load %arg9[%get3A_110, %get3A_111] : memref<1x64xf32, #tpu.memory_space<vmem>>, vector<1x64xf32>
    %add3A_113 = vector.broadcast %get3A_112 : vector<1x64xf32> to vector<2048x64xf32>
    %add3A_114 = arith.addf %dot_general3A_109, %add3A_113 : vector<2048x64xf32>
    %max3A_115 = arith.constant 0.000000e+00 : f32
    %max3A_116 = vector.broadcast %max3A_115 : f32 to vector<2048x64xf32>
    %max3A_117 = arith.maximumf %add3A_114, %max3A_116 : vector<2048x64xf32>
    %get3A_118 = arith.constant 0 : index
    %get3A_119 = arith.constant 0 : index
    %get3A_120 = vector.load %arg10[%get3A_118, %get3A_119] : memref<64x1xf32, #tpu.memory_space<vmem>>, vector<64x1xf32>
    %dot_general3A_121 = arith.constant dense<0.000000e+00> : vector<2048x1xf32>
    %dot_general3A_122 = tpu.matmul %max3A_117, %get3A_120, %dot_general3A_121 {dimension_numbers = #tpu.dot_dimension_numbers<[1], [0], [0], [1], [0, 0, 1, 1], [], []>, transpose_lhs_hint = false} : vector<2048x64xf32>, vector<64x1xf32>, vector<2048x1xf32> -> vector<2048x1xf32>
    %get3A_123 = arith.constant 0 : index
    %get3A_124 = arith.constant 0 : index
    %get3A_125 = vector.load %arg11[%get3A_123, %get3A_124] : memref<1x1xf32, #tpu.memory_space<vmem>>, vector<1x1xf32>
    %add3A_126 = vector.broadcast %get3A_125 : vector<1x1xf32> to vector<2048x1xf32>
    %add3A_127 = arith.addf %dot_general3A_122, %add3A_126 : vector<2048x1xf32>
    %add3A_128 = arith.addf %add3A_89, %add3A_127 : vector<2048x1xf32>
    %logistic3A = arith.negf %add3A_128 : vector<2048x1xf32>
    %logistic3A_129 = math.exp %logistic3A : vector<2048x1xf32>
    %logistic3A_130 = arith.constant 1.000000e+00 : f32
    %logistic3A_131 = vector.broadcast %logistic3A_130 : f32 to vector<2048x1xf32>
    %logistic3A_132 = arith.addf %logistic3A_131, %logistic3A_129 : vector<2048x1xf32>
    %logistic3A_133 = arith.divf %logistic3A_131, %logistic3A_132 : vector<2048x1xf32>
    %swap3A = arith.constant 0 : index
    %swap3A_134 = arith.constant 0 : index
    %swap3A_135 = vector.load %arg15[%swap3A, %swap3A_134] : memref<2048x1xf32, #tpu.memory_space<vmem>>, vector<2048x1xf32>
    tpu.vector_store %arg15[%swap3A, %swap3A_134], %logistic3A_133 {strides = array<i32>} : memref<2048x1xf32, #tpu.memory_space<vmem>>, vector<2048x1xf32>,
    return
  }
  func.func @transform_0(%arg0: i32) -> (i32, i32) {
    %c0_i32 = arith.constant 0 : i32
    %c0_i32_0 = arith.constant 0 : i32
    return %arg0, %c0_i32 : i32, i32
  }
  func.func @transform_1(%arg0: i32) -> (i32, i32, i32) {
    %c0_i32 = arith.constant 0 : i32
    %c0_i32_0 = arith.constant 0 : i32
    %c0_i32_1 = arith.constant 0 : i32
    return %c0_i32, %arg0, %c0_i32_0 : i32, i32, i32
  }
  func.func @transform_2(%arg0: i32) -> (i32, i32) {
    %c0_i32 = arith.constant 0 : i32
    %c0_i32_0 = arith.constant 0 : i32
    %c0_i32_1 = arith.constant 0 : i32
    return %c0_i32, %c0_i32_0 : i32, i32
  }
  func.func @transform_3(%arg0: i32) -> (i32, i32) {
    %c0_i32 = arith.constant 0 : i32
    %c0_i32_0 = arith.constant 0 : i32
    %c0_i32_1 = arith.constant 0 : i32
    return %c0_i32, %c0_i32_0 : i32, i32
  }
  func.func @transform_4(%arg0: i32) -> (i32, i32) {
    %c0_i32 = arith.constant 0 : i32
    %c0_i32_0 = arith.constant 0 : i32
    %c0_i32_1 = arith.constant 0 : i32
    return %c0_i32, %c0_i32_0 : i32, i32
  }
  func.func @transform_5(%arg0: i32) -> (i32, i32) {
    %c0_i32 = arith.constant 0 : i32
    %c0_i32_0 = arith.constant 0 : i32
    %c0_i32_1 = arith.constant 0 : i32
    return %c0_i32, %c0_i32_0 : i32, i32
  }
  func.func @transform_6(%arg0: i32) -> (i32, i32) {
    %c0_i32 = arith.constant 0 : i32
    %c0_i32_0 = arith.constant 0 : i32
    %c0_i32_1 = arith.constant 0 : i32
    return %c0_i32, %c0_i32_0 : i32, i32
  }
  func.func @transform_7(%arg0: i32) -> (i32, i32) {
    %c0_i32 = arith.constant 0 : i32
    %c0_i32_0 = arith.constant 0 : i32
    %c0_i32_1 = arith.constant 0 : i32
    return %c0_i32, %c0_i32_0 : i32, i32
  }
  func.func @transform_8(%arg0: i32) -> (i32, i32) {
    %c0_i32 = arith.constant 0 : i32
    %c0_i32_0 = arith.constant 0 : i32
    %c0_i32_1 = arith.constant 0 : i32
    return %c0_i32, %c0_i32_0 : i32, i32
  }
  func.func @transform_9(%arg0: i32) -> (i32, i32) {
    %c0_i32 = arith.constant 0 : i32
    %c0_i32_0 = arith.constant 0 : i32
    %c0_i32_1 = arith.constant 0 : i32
    return %c0_i32, %c0_i32_0 : i32, i32
  }
  func.func @transform_10(%arg0: i32) -> (i32, i32) {
    %c0_i32 = arith.constant 0 : i32
    %c0_i32_0 = arith.constant 0 : i32
    %c0_i32_1 = arith.constant 0 : i32
    return %c0_i32, %c0_i32_0 : i32, i32
  }
  func.func @transform_11(%arg0: i32) -> (i32, i32) {
    %c0_i32 = arith.constant 0 : i32
    %c0_i32_0 = arith.constant 0 : i32
    %c0_i32_1 = arith.constant 0 : i32
    return %c0_i32, %c0_i32_0 : i32, i32
  }
  func.func @transform_12(%arg0: i32) -> (i32, i32) {
    %c0_i32 = arith.constant 0 : i32
    %c0_i32_0 = arith.constant 0 : i32
    %c0_i32_1 = arith.constant 0 : i32
    return %c0_i32, %c0_i32_0 : i32, i32
  }
  func.func @transform_13(%arg0: i32) -> (i32, i32) {
    %c0_i32 = arith.constant 0 : i32
    %c0_i32_0 = arith.constant 0 : i32
    %c0_i32_1 = arith.constant 0 : i32
    return %c0_i32, %c0_i32_0 : i32, i32
  }
  func.func @transform_14(%arg0: i32) -> (i32, i32) {
    %c0_i32 = arith.constant 0 : i32
    %c0_i32_0 = arith.constant 0 : i32
    return %arg0, %c0_i32 : i32, i32
  }
}

</mosaic_0001>

<sc_bundles>
// kernel: kernel.4.cloned.1.call-start
scs
__scs_entry_jumppad:
0x0: {  	(pc) =	sbr.rel $0x88, $3  }
0x1: {  	(tag) =	ssettag $0x0;
	lr =	simm.s32 $0x1  }
0x2: {  	[smem:$0x3F94] =	sst lr;
	_ =	strace $0xD0000000  }
0x3: {  	_ = 	snop  }
0x4: {  	_ = 	snop  }
0x5: {  	_ = 	snop  }
0x6: {  	_ = 	snop  }
0x7: {  	_ = 	snop  }
__scs_overlays_trampoline_lowered:
0x8: {  	[smem:$0x3FA3] =	sst s0  }
0x9: {  	[smem:$0x3FA4] =	sst s1  }
0xa: {  	[smem:$0x3FA5] =	sst s2  }
0xb: {  	[smem:$0x3FA6] =	sst s3  }
0xc: {  	[smem:$0x3FA7] =	sst s4  }
0xd: {  	[smem:$0x3FA8] =	sst s5  }
0xe: {  	[smem:$0x3FA9] =	sst s6  }
0xf: {  	[smem:$0x3FAA] =	sst s7  }
0x10: {  	[smem:$0x3FAB] =	sst s8  }
0x11: {  	[smem:$0x3FAC] =	sst s9;
	s0 =	simm.s32 @!p0 $0x0  }
0x12: {  	s1 =	sld [smem:$0x3F92];
	s0 =	simm.s32 @p0 $0x1  }
0x13: {  	[smem:$0x3FAD] =	sst s0;
	s0 =	simm.s32 @!p1 $0x0  }
0x14: {  	s2 =	sld [smem:$0x3F91];
	s0 =	simm.s32 @p1 $0x1  }
0x15: {  	[smem:$0x3FAE] =	sst s0;
	s0 =	simm.s32 @!p2 $0x0  }
0x16: {  	s3 =	sld [smem:$0x3FDB];
	s0 =	simm.s32 @p2 $0x1  }
0x17: {  	s4 =	simm.s32 $0x1BF5;
	[smem:$0x3FB0] =	sst s0  }
0x18: {  	s0 =	sld [smem:$0x3F93];
	_ =	swait.ge [sflag:s4], $0x0  }
0x19: {  	s7 =	sld [smem:$0x3F94]  }
0x1a: {  	s8 =	sadd.s32 $0xFFFFE003, lr  }
0x1b: {  	s9 =	sadd.s32 $0xFFFFFEF7, lr;
	s5 =	simm.s32 $0xFFFFFFFF;
	p2 =	slt.u32 s8, $0xFFFFF086  }
0x1c: {  	p1 =	slt.u32 s9, $0xF7A;
	s5 =	simm.s32 @!p2 $0x0  }
0x1d: {  	s5 =	simm.s32 @p1 $0x1;
	p0 =	seq.s32 s7, s2  }
0x1e: {  	s7 =	smul.u32 @!p0 $0xF7A, s2;
	p2 =	seq.s32 @!p0 s5, $0x0  }
0x1f: {  	s9 =	smul.u32 $0xF7A, s1;
	s8 =	simm.s32 @!p0 $0x1BF5;
	p2 =	por !p2, p0  }
0x20: {  	[sflag:s8] =	ssyncset.s32 @!p0 $0xFFFFF086;
	s6 =	sadd.s32 @!p0 s3, s7;
	s7 =	simm.s32 @!p0 $0x108  }
0x21: {  	s3 =	sadd.s32 s3, s9;
	s6 =	sadd.s32 @!p0 $0x88, s6;
	s7 =	simm.s32 @p2 $0x1082  }
0x22: {  	[simem:s7], [sflag:s8] =	dma.local @!p0 [hbm:s6], $0xF7A  }
0x23: {  	s9 =	sor.u32 $0xD0000000, s2;
	s6 =	simm.s32 $0x108;
	_ =	swait.ge @!p0 [sflag:s8], $0x0  }
0x24: {  	s3 =	sadd.s32 $0x88, s3;
	s6 =	simm.s32 @!p1 $0x1082;
	[sflag:s4] =	ssyncset.s32 $0xFFFFF086  }
0x25: {  	[simem:s6], [sflag:s4] =	dma.local [hbm:s3], $0xF7A  }
0x26: {  	[smem:$0x3F94] =	sst s1;
	(tag) =	ssettag s2;
	_ =	strace s9  }
0x27: {  	s1 =	sld [smem:$0x3FA4]  }
0x28: {  	s2 =	sld [smem:$0x3FA5]  }
0x29: {  	s4 =	sld [smem:$0x3FA7]  }
0x2a: {  	p0 =	seq.s32 s5, $0x0;
	s5 =	sld [smem:$0x3FA8]  }
0x2b: {  	s6 =	sld [smem:$0x3FA9]  }
0x2c: {  	s7 =	sld [smem:$0x3FAA]  }
0x2d: {  	s3 =	simm.s32 $0x108;
	s8 =	sld [smem:$0x3FAB]  }
0x2e: {  	s3 =	simm.s32 @!p0 $0x1082;
	s9 =	sld [smem:$0x3FAC]  }
0x2f: {  	lr =	sadd.s32 s0, s3;
	s0 =	sld [smem:$0x3FA3]  }
0x30: {  	s3 =	sld [smem:$0x3FA6]  }
0x31: {  	[smem:$0x3FAF] =	sst s10  }
0x32: {  	s10 =	sld [smem:$0x3FAD];
	_ =	sdelay $0x3  }
0x33: {  	p0 =	seq.s32 s10, $0x1;
	s10 =	sld [smem:$0x3FAF];
	_ =	sdelay $0x3  }
0x34: {  	[smem:$0x3FAF] =	sst s10  }
0x35: {  	s10 =	sld [smem:$0x3FAE];
	_ =	sdelay $0x3  }
0x36: {  	p1 =	seq.s32 s10, $0x1;
	s10 =	sld [smem:$0x3FAF];
	_ =	sdelay $0x3  }
0x37: {  	[smem:$0x3FAF] =	sst s10  }
0x38: {  	s10 =	sld [smem:$0x3FB0]  }
0x39: {  	_ = 	snop;
	(pc) =	sbr.ind lr, $3  }
0x3a: {  	_ = 	snop  }
0x3b: {  	_ = 	snop  }
0x3c: {  	p2 =	seq.s32 s10, $0x1;
	s10 =	sld [smem:$0x3FAF]  }
0x3d: {  	_ =	shalt  }
0x3e: {  	_ =	shalt  }
0x3f: {  	_ =	shalt  }
0x40: {  	_ =	shalt  }
0x41: {  	_ =	shalt  }
0x42: {  	_ =	shalt  }
0x43: {  	_ =	shalt  }
0x44: {  	_ =	shalt  }
0x45: {  	_ =	shalt  }
0x46: {  	_ =	shalt  }
0x47: {  	_ =	shalt  }
0x48: {  	_ =	shalt  }
0x49: {  	_ =	shalt  }
0x4a: {  	_ =	shalt  }
0x4b: {  	_ =	shalt  }
0x4c: {  	_ =	shalt  }
0x4d: {  	_ =	shalt  }
0x4e: {  	_ =	shalt  }
0x4f: {  	_ =	shalt  }
0x50: {  	_ =	shalt  }
0x51: {  	_ =	shalt  }
0x52: {  	_ =	shalt  }
0x53: {  	_ =	shalt  }
0x54: {  	_ =	shalt  }
0x55: {  	_ =	shalt  }
0x56: {  	_ =	shalt  }
0x57: {  	_ =	shalt  }
0x58: {  	_ =	shalt  }
0x59: {  	_ =	shalt  }
0x5a: {  	_ =	shalt  }
0x5b: {  	_ =	shalt  }
0x5c: {  	_ =	shalt  }
0x5d: {  	_ =	shalt  }
0x5e: {  	_ =	shalt  }
0x5f: {  	_ =	shalt  }
0x60: {  	_ =	shalt  }
0x61: {  	_ =	shalt  }
0x62: {  	_ =	shalt  }
0x63: {  	_ =	shalt  }
0x64: {  	_ =	shalt  }
0x65: {  	_ =	shalt  }
0x66: {  	_ =	shalt  }
0x67: {  	_ =	shalt  }
0x68: {  	_ =	shalt  }
0x69: {  	_ =	shalt  }
0x6a: {  	_ =	shalt  }
0x6b: {  	_ =	shalt  }
0x6c: {  	_ =	shalt  }
0x6d: {  	_ =	shalt  }
0x6e: {  	_ =	shalt  }
0x6f: {  	_ =	shalt  }
0x70: {  	_ =	shalt  }
0x71: {  	_ =	shalt  }
0x72: {  	_ =	shalt  }
0x73: {  	_ =	shalt  }
0x74: {  	_ =	shalt  }
0x75: {  	_ =	shalt  }
0x76: {  	_ =	shalt  }
0x77: {  	_ =	shalt  }
0x78: {  	_ =	shalt  }
0x79: {  	_ =	shalt  }
0x7a: {  	_ =	shalt  }
0x7b: {  	_ =	shalt  }
0x7c: {  	_ =	shalt  }
0x7d: {  	_ =	shalt  }
0x7e: {  	_ =	shalt  }
0x7f: {  	_ =	shalt  }
0x80: {  	_ =	shalt  }
0x81: {  	_ =	shalt  }
0x82: {  	_ =	shalt  }
0x83: {  	_ =	shalt  }
0x84: {  	_ =	shalt  }
0x85: {  	_ =	shalt  }
0x86: {  	_ =	shalt  }
0x87: {  	_ =	shalt  }
.Lfunc_end0:
.L_simem_size_0:
called_computation_lowered:
.L_overlay_start_0:
0x88: {  	s2 =	sld [smem:$0x3FD9]  }
0x89: {  	s3 =	sld [smem:$0x3FFE];
	_ =	sdelay $0x1  }
0x8a: {  	s1 =	srdreg.scid  }
0x8b: {  	s0 =	sand.u32 $0x1, s1  }
0x8c: {  	s16 =	sshll.u32 s0, $0xA;
	s2 =	sadd.s32 s3, s2  }
0x8d: {  	s2 =	sadd.s32 s2, s16  }
0x8e: {  	[smem:$0x3FBB] =	sst s2  }
0x8f: {  	_ = 	snop  }
0x90: {  	(tm) =	ssettm $0x1  }
0x91: {  	s17 =	sld [smem:$0x3FFB];
	_ =	sdelay $0x3  }
0x92: {  	_ =	strace s17  }
0x93: {  	s2 =	sld [smem:$0x3FFC];
	_ =	sdelay $0x3  }
0x94: {  	_ =	strace s2  }
0x95: {  	s2 =	sld [smem:$0x3FFD];
	_ =	sdelay $0x3  }
0x96: {  	_ =	strace s2  }
0x97: {  	_ =	strace $0x8FFFFFFF  }
0x98: {  	s18 =	sld [smem:$0x3FDB];
	_ =	sdelay $0x1  }
0x99: {  	s19 =	simm.s32 $_scs_section_size  }
0x9a: {  	s4 =	simm.s32 $_size__tile_overlayer_lowered;
	s5 =	simm.s32 $_tile_overlayer_lowered  }
0x9b: {  	s22 =	simm.s32 $0x1BFF;
	s21 =	sshll.u32 s5, $0x1;
	s2 =	sadd.s32 s19, s18  }
0x9c: {  	s6 =	simm.s32 $0x0;
	s20 =	sshll.u32 s4, $0x1;
	s4 =	sadd.s32 s21, s2  }
0x9d: {  	[timem:s6], [sflag:s22] =	dma.local [hbm:s4], s20  }
0x9e: {  	_ =	swait.ge [sflag:s22], s20  }
0x9f: {  	s3 =	ssub.s32 $0x0, s20;
	[sflag:s22] =	ssyncset.done $0x0  }
0xa0: {  	[sflag:s22] =	ssyncadd.s32 s3;
	_ =	sdelay $0x1  }
0xa1: {  	s23 =	simm.s32 $0x1B8B  }
0xa2: {  	_ =	swait.ge [sflag:s23], $0x1  }
0xa3: {  	[sflag:s23] =	ssyncset.done $0x0  }
0xa4: {  	s25 =	simm.s32 $0x1B8E;
	s24 =	sld [smem:$0x3FFE];
	[sflag:s23] =	ssyncadd.s32 $0xFFFFFFFF  }
0xa5: {  	s26 =	simm.s32 $execute0_lowered;
	[smem:$0x3FD2] =	sst s25  }
0xa6: {  	s4 =	sshll.u32 s26, $0x1;
	_ =	strace $0x80000046;
	[dreg:$0x1] =	wrdreg $0xFFFFFFFF  }
0xa7: {  	s28 =	simm.s32 $_size_execute0_lowered;
	s2 =	sadd.s32 s2, s4;
	[dreg:$0x0] =	wrdreg $0x0  }
0xa8: {  	s4 =	sshll.u32 s28, $0x1;
	[dreg:$0x2] =	wrdreg s2  }
0xa9: {  	[dreg:$0x3] =	wrdreg s4  }
0xaa: {  	[dreg:$0x4] =	wrdreg $0xC0  }
0xab: {  	_ =	task [dreg:s6], $0x5FFFF  }
0xac: {  	[dreg:$0x1] =	wrdreg $0xFFFFFFFF  }
0xad: {  	[dreg:$0x0] =	wrdreg $0x60  }
0xae: {  	[dreg:$0x2] =	wrdreg s24  }
0xaf: {  	[dreg:$0x3] =	wrdreg $0x9  }
0xb0: {  	_ =	task.clear_ibuf [dreg:s6], $0x4FFFF;
	_ =	strace $0x90000046  }
0xb1: {  	s29 =	simm.s32 $0x9;
	_ =	strace $0x80000048  }
0xb2: {  	_ =	swait.ge [sflag:s29], $0x1  }
0xb3: {  	[sflag:s29] =	ssyncadd.s32 $0xFFFFFFFF  }
0xb4: {  	_ =	strace $0x90000048  }
0xb5: {  	_ =	sfence  }
0xb6: {  	s30 =	sld [smem:$0x0];
	_ =	sdelay $0x2  }
0xb7: {  	s31 =	sshll.u32 s1, $0xD;
	s1 =	sshrl.u32 s1, $0x2  }
0xb8: {  	s3 =	sand.u32 $0x4000, s31;
	s1 =	sadd.s32 s1, s30  }
0xb9: {  	s0 =	sor.u32 s3, s0;
	s1 =	sshll.u32 s1, $0x11  }
0xba: {  	s0 =	sor.u32 s1, s0  }
0xbb: {  	s0 =	sadd.s32 $0x8F2B, s0  }
0xbc: {  	[sflag:s0] =	ssyncadd.remote.s32 $0x1  }
0xbd: {  	_ =	sfence.sel $0xFFFF  }
0xbe: {  	[dreg:$0x0] =	wrdreg $0xFFFFFFFF;
	(pc) =	sbr.abs _section_cstart, $3  }
0xbf: {  	[dreg:$0x1] =	wrdreg $0xFFFFFFFF  }
0xc0: {  	_ =	task.clear_ibuf [dreg:s6], $0x2FFFF;
	_ =	strace $0x9FFFFFFF  }
0xc1: {  	(tm) =	ssettm $0x7FFFFFFF  }
tec
execute0_lowered:
.L_overlay_start_1:
0x0: {  	(tag) =	ssettag $0x1  }
0x1: {  	v0 =	vlaneseq.u32  }
0x2: {  	v2 =	vmul.u32 $0x8, v0;
	_ =	sdelay $0x1  }
0x3: {  	v32 =	vor.u32 $0xF80, v2;
	v31 =	vor.u32 $0xF00, v2  }
0x4: {  	v30 =	vor.u32 $0xE80, v2;
	v29 =	vor.u32 $0xE00, v2;
	v27 =	vor.u32 $0xD80, v2  }
0x5: {  	v26 =	vor.u32 $0xD00, v2;
	v25 =	vor.u32 $0xC80, v2;
	v24 =	vor.u32 $0xC00, v2  }
0x6: {  	v23 =	vor.u32 $0xB80, v2;
	v22 =	vor.u32 $0xB00, v2;
	v21 =	vor.u32 $0xA80, v2  }
0x7: {  	s1 =	srdreg.scid;
	v20 =	vor.u32 $0xA00, v2;
	v19 =	vor.u32 $0x980, v2;
	v18 =	vor.u32 $0x900, v2  }
0x8: {  	s0 =	stileid.u32;
	s3 =	sand.u32 $0x1, s1;
	v17 =	vor.u32 $0x880, v2;
	v16 =	vor.u32 $0x800, v2;
	v15 =	vor.u32 $0x780, v2  }
0x9: {  	s31 =	sshll.u32 s0, $0xA;
	s2 =	sshll.u32 s3, $0x9;
	v14 =	vor.u32 $0x700, v2;
	v13 =	vor.u32 $0x680, v2;
	v12 =	vor.u32 $0x600, v2  }
0xa: {  	s4 =	sor.u32 s2, s31;
	v11 =	vor.u32 $0x580, v2;
	v10 =	vor.u32 $0x500, v2;
	v9 =	vor.u32 $0x480, v2  }
0xb: {  	v8 =	vor.u32 $0x400, v2;
	v7 =	vor.u32 $0x380, v2;
	v1 =	vmov s4  }
0xc: {  	v6 =	vor.u32 $0x300, v2;
	v5 =	vor.u32 $0x280, v2;
	v1 =	vshll.u32 v1, $0x3  }
0xd: {  	v4 =	vor.u32 $0x200, v2;
	v28 =	vor.u32 $0x180, v2;
	v3 =	vor.u32 v2, v1  }
0xe: {  	v63 =	vor.u32 v28, v1;
	v4 =	vor.u32 v4, v1;
	v5 =	vor.u32 v5, v1  }
0xf: {  	v6 =	vor.u32 v6, v1;
	v7 =	vor.u32 v7, v1;
	v8 =	vor.u32 v8, v1  }
0x10: {  	v9 =	vor.u32 v9, v1;
	v10 =	vor.u32 v10, v1;
	v11 =	vor.u32 v11, v1  }
0x11: {  	v12 =	vor.u32 v12, v1;
	v13 =	vor.u32 v13, v1;
	v14 =	vor.u32 v14, v1  }
0x12: {  	v15 =	vor.u32 v15, v1;
	v16 =	vor.u32 v16, v1;
	v17 =	vor.u32 v17, v1  }
0x13: {  	v18 =	vor.u32 v18, v1;
	v19 =	vor.u32 v19, v1;
	v20 =	vor.u32 v20, v1  }
0x14: {  	v21 =	vor.u32 v21, v1;
	v22 =	vor.u32 v22, v1;
	v23 =	vor.u32 v23, v1  }
0x15: {  	v24 =	vor.u32 v24, v1;
	v25 =	vor.u32 v25, v1;
	v26 =	vor.u32 v26, v1  }
0x16: {  	v27 =	vor.u32 v27, v1;
	v28 =	vmul.u32 $0x80, v0;
	v29 =	vor.u32 v29, v1  }
0x17: {  	v30 =	vor.u32 v30, v1;
	v31 =	vor.u32 v31, v1;
	[tilespmem:$0x1FFC0] =	vst v3;
	v3 =	vor.u32 $0x80, v2  }
0x18: {  	s5 =	rddreg [dreg:$0x0];
	v32 =	vor.u32 v32, v1;
	v2 =	vor.u32 $0x100, v2;
	v3 =	vor.u32 v3, v1  }
0x19: {  	s9 =	simm.s32 $0x10000;
	s10 =	simm.s32 $0x10400;
	s11 =	simm.s32 $0x10080;
	v2 =	vor.u32 v2, v1;
	v33 =	vor.u32 $0x800, v28;
	v34 =	vor.u32 $0x1000, v28  }
0x1a: {  	s12 =	simm.s32 $0x10C00;
	s13 =	simm.s32 $0x10100;
	s14 =	simm.s32 $0x11400;
	v35 =	vor.u32 $0x1800, v28;
	v36 =	vor.u32 $0x2000, v28;
	v37 =	vor.u32 $0x2800, v28  }
0x1b: {  	s15 =	simm.s32 $0x10180;
	s16 =	simm.s32 $0x11C00;
	s17 =	simm.s32 $0x1;
	v38 =	vor.u32 $0x3000, v28;
	v39 =	vor.u32 $0x3800, v28;
	v40 =	vor.u32 $0x4000, v28  }
0x1c: {  	s18 =	simm.s32 $0x10200;
	s19 =	simm.s32 $0x10280;
	s20 =	simm.s32 $0x10300;
	v41 =	vor.u32 $0x4800, v28;
	v42 =	vor.u32 $0x5000, v28;
	v43 =	vor.u32 $0x5800, v28  }
0x1d: {  	s21 =	simm.s32 $0x10380;
	s22 =	simm.s32 $0x2;
	s23 =	simm.s32 $0x0;
	v44 =	vor.u32 $0x6000, v28;
	v45 =	vor.u32 $0x6800, v28;
	v46 =	vor.u32 $0x7000, v28  }
0x1e: {  	s1 =	rddreg [dreg:$0x1];
	s6 =	ssub.s32 $0x2, s3;
	s2 =	simm.s32 $0x0;
	v47 =	vor.u32 $0x7800, v28;
	v48 =	vor.u32 $0x8000, v28;
	v49 =	vor.u32 $0x8800, v28  }
0x1f: {  	s3 =	sadd.s32 $0x27AE000, s5;
	s8 =	sshrl.u32 s6, $0x1;
	[smem:$0x7FF] =	sst s2;
	[tilespmem:$0x1FFF0] =	vst v63;
	v50 =	vor.u32 $0x9000, v28;
	v51 =	vor.u32 $0x9800, v28;
	v52 =	vor.u32 $0xA000, v28  }
0x20: {  	s4 =	sshll.u32 s4, $0x4;
	s6 =	ssub.s32 s6, s8;
	s8 =	simm.s32 $0x80;
	v53 =	vor.u32 $0xA800, v28;
	v54 =	vor.u32 $0xB000, v28;
	v55 =	vor.u32 $0xB800, v28;
	[tilespmem:$0x1FFD0] =	vst v3  }
0x21: {  	s7 =	sadd.s32 s4, s5;
	s4 =	sadd.s32 $0x41C00, s5;
	s6 =	smax.u32 s6, $0x1;
	v56 =	vor.u32 $0xC000, v28;
	v57 =	vor.u32 $0xC800, v28;
	v58 =	vor.u32 $0xD000, v28;
	[tilespmem:$0x1FFE0] =	vst v2  }
0x22: {  	s5 =	sadd.s32 $0x1C00, s7;
	s7 =	simm.s32 $0x3;
	v59 =	vor.u32 $0xD800, v28;
	v60 =	vor.u32 $0xE000, v28;
	v61 =	vor.u32 $0xE800, v28;
	_ =	strace $0x80000047  }
.LBB2_1:
0x23: {  	v0 =	vmov s2  }
0x24: {  	v0 =	vand.u32 $0x1F, v0  }
0x25: {  	v0 =	vbroadcast v0, $0x0;
	_ =	sdelay $0x1  }
0x26: {  	v1 =	vor.u32 v28, v0  }
0x27: {  	[tilespmem:s2], [sflag:$0x3] =	stream.linear.gather [hbm4b:s5+s2], $0x10000, $0x38;
	[tilespmem:$0x12400] =	vst v63  }
0x28: {  	_ =	swait.ge [sflag:s7], $0x10000  }
0x29: {  	[sflag:s7] =	ssyncset.done $0x0;
	v2 =	vld [tilespmem:$0x1FFC0]  }
0x2a: {  	[sflag:s7] =	ssyncadd.s32 $0xFFFF0000  }
0x2b: {  	v1 =	vld.idx.msk [tilespmem:v1+s2+$0x0], $0xffff  }
0x2c: {  	s24 =	sand.u32 $0x60000, s2;
	s25 =	sand.u32 $0x7, s2;
	v62 =	vor.u32 v33, v0  }
0x2d: {  	s24 =	sor.u32 s25, s24  }
0x2e: {  	v63 =	vor.u32 s24, v2  }
0x2f: {  	v2 =	vld [tilespmem:$0x1FFD0];
	[tilespmem:$0x10200] =	vst v63  }
0x30: {  	[tilespmem:$0x10000] =	vst v1  }
0x31: {  	v1 =	vld.idx.msk [tilespmem:v62+s2+$0x0], $0xffff  }
0x32: {  	v62 =	vor.u32 v34, v0;
	_ =	sdelay $0x1  }
0x33: {  	v63 =	vor.u32 s24, v2  }
0x34: {  	v2 =	vld [tilespmem:$0x1FFE0];
	[tilespmem:$0x10210] =	vst v63  }
0x35: {  	[tilespmem:$0x10010] =	vst v1  }
0x36: {  	v1 =	vld.idx.msk [tilespmem:v62+s2+$0x0], $0xffff  }
0x37: {  	v62 =	vor.u32 v35, v0;
	_ =	sdelay $0x1  }
0x38: {  	v63 =	vor.u32 s24, v2  }
0x39: {  	v2 =	vld [tilespmem:$0x1FFF0];
	[tilespmem:$0x10220] =	vst v63  }
0x3a: {  	[tilespmem:$0x10020] =	vst v1  }
0x3b: {  	v1 =	vld.idx.msk [tilespmem:v62+s2+$0x0], $0xffff  }
0x3c: {  	v62 =	vor.u32 v36, v0;
	_ =	sdelay $0x1  }
0x3d: {  	v63 =	vor.u32 s24, v2  }
0x3e: {  	[tilespmem:$0x10230] =	vst v63  }
0x3f: {  	[tilespmem:$0x10030] =	vst v1  }
0x40: {  	v1 =	vld.idx.msk [tilespmem:v62+s2+$0x0], $0xffff  }
0x41: {  	v62 =	vor.u32 v37, v0;
	_ =	sdelay $0x1  }
0x42: {  	v63 =	vor.u32 s24, v4  }
0x43: {  	[tilespmem:$0x10240] =	vst v63  }
0x44: {  	[tilespmem:$0x10040] =	vst v1  }
0x45: {  	v1 =	vld.idx.msk [tilespmem:v62+s2+$0x0], $0xffff  }
0x46: {  	v62 =	vor.u32 v38, v0;
	_ =	sdelay $0x1  }
0x47: {  	v63 =	vor.u32 s24, v5  }
0x48: {  	[tilespmem:$0x10250] =	vst v63  }
0x49: {  	[tilespmem:$0x10050] =	vst v1  }
0x4a: {  	v1 =	vld.idx.msk [tilespmem:v62+s2+$0x0], $0xffff  }
0x4b: {  	v62 =	vor.u32 v39, v0;
	_ =	sdelay $0x1  }
0x4c: {  	v63 =	vor.u32 s24, v6  }
0x4d: {  	[tilespmem:$0x10260] =	vst v63  }
0x4e: {  	[tilespmem:$0x10060] =	vst v1  }
0x4f: {  	v1 =	vld.idx.msk [tilespmem:v62+s2+$0x0], $0xffff  }
0x50: {  	v62 =	vor.u32 v40, v0;
	_ =	sdelay $0x1  }
0x51: {  	v63 =	vor.u32 s24, v7  }
0x52: {  	[tilespmem:$0x10270] =	vst v63  }
0x53: {  	[tilespmem:$0x10070] =	vst v1  }
0x54: {  	v1 =	vld.idx.msk [tilespmem:v62+s2+$0x0], $0xffff  }
0x55: {  	v62 =	vor.u32 v41, v0;
	_ =	sdelay $0x1  }
0x56: {  	v63 =	vor.u32 s24, v8  }
0x57: {  	[tilespmem:$0x10280] =	vst v63  }
0x58: {  	[tilespmem:$0x10080] =	vst v1  }
0x59: {  	v1 =	vld.idx.msk [tilespmem:v62+s2+$0x0], $0xffff  }
0x5a: {  	v62 =	vor.u32 v42, v0;
	_ =	sdelay $0x1  }
0x5b: {  	v63 =	vor.u32 s24, v9  }
0x5c: {  	[tilespmem:$0x10290] =	vst v63  }
0x5d: {  	[tilespmem:$0x10090] =	vst v1  }
0x5e: {  	v1 =	vld.idx.msk [tilespmem:v62+s2+$0x0], $0xffff  }
0x5f: {  	v62 =	vor.u32 v43, v0;
	_ =	sdelay $0x1  }
0x60: {  	v63 =	vor.u32 s24, v10  }
0x61: {  	[tilespmem:$0x102A0] =	vst v63  }
0x62: {  	[tilespmem:$0x100A0] =	vst v1  }
0x63: {  	v1 =	vld.idx.msk [tilespmem:v62+s2+$0x0], $0xffff  }
0x64: {  	v62 =	vor.u32 v44, v0;
	_ =	sdelay $0x1  }
0x65: {  	v63 =	vor.u32 s24, v11  }
0x66: {  	[tilespmem:$0x102B0] =	vst v63  }
0x67: {  	[tilespmem:$0x100B0] =	vst v1  }
0x68: {  	v1 =	vld.idx.msk [tilespmem:v62+s2+$0x0], $0xffff  }
0x69: {  	v62 =	vor.u32 v45, v0;
	_ =	sdelay $0x1  }
0x6a: {  	v63 =	vor.u32 s24, v12  }
0x6b: {  	[tilespmem:$0x102C0] =	vst v63  }
0x6c: {  	[tilespmem:$0x100C0] =	vst v1  }
0x6d: {  	v1 =	vld.idx.msk [tilespmem:v62+s2+$0x0], $0xffff  }
0x6e: {  	v62 =	vor.u32 v46, v0;
	_ =	sdelay $0x1  }
0x6f: {  	v63 =	vor.u32 s24, v13  }
0x70: {  	[tilespmem:$0x102D0] =	vst v63  }
0x71: {  	[tilespmem:$0x100D0] =	vst v1  }
0x72: {  	v1 =	vld.idx.msk [tilespmem:v62+s2+$0x0], $0xffff  }
0x73: {  	v62 =	vor.u32 v47, v0;
	_ =	sdelay $0x1  }
0x74: {  	v63 =	vor.u32 s24, v14  }
0x75: {  	[tilespmem:$0x102E0] =	vst v63  }
0x76: {  	[tilespmem:$0x100E0] =	vst v1  }
0x77: {  	v1 =	vld.idx.msk [tilespmem:v62+s2+$0x0], $0xffff  }
0x78: {  	v62 =	vor.u32 v48, v0;
	_ =	sdelay $0x1  }
0x79: {  	v63 =	vor.u32 s24, v15  }
0x7a: {  	[tilespmem:$0x102F0] =	vst v63  }
0x7b: {  	[tilespmem:$0x100F0] =	vst v1  }
0x7c: {  	v1 =	vld.idx.msk [tilespmem:v62+s2+$0x0], $0xffff  }
0x7d: {  	v62 =	vor.u32 v49, v0;
	_ =	sdelay $0x1  }
0x7e: {  	v63 =	vor.u32 s24, v16  }
0x7f: {  	[tilespmem:$0x10300] =	vst v63  }
0x80: {  	[tilespmem:$0x10100] =	vst v1  }
0x81: {  	v1 =	vld.idx.msk [tilespmem:v62+s2+$0x0], $0xffff  }
0x82: {  	v62 =	vor.u32 v50, v0;
	_ =	sdelay $0x1  }
0x83: {  	v63 =	vor.u32 s24, v17  }
0x84: {  	[tilespmem:$0x10310] =	vst v63  }
0x85: {  	[tilespmem:$0x10110] =	vst v1  }
0x86: {  	v1 =	vld.idx.msk [tilespmem:v62+s2+$0x0], $0xffff  }
0x87: {  	v62 =	vor.u32 v51, v0;
	_ =	sdelay $0x1  }
0x88: {  	v63 =	vor.u32 s24, v18  }
0x89: {  	[tilespmem:$0x10320] =	vst v63  }
0x8a: {  	[tilespmem:$0x10120] =	vst v1  }
0x8b: {  	v1 =	vld.idx.msk [tilespmem:v62+s2+$0x0], $0xffff  }
0x8c: {  	v62 =	vor.u32 v52, v0;
	_ =	sdelay $0x1  }
0x8d: {  	v63 =	vor.u32 s24, v19  }
0x8e: {  	[tilespmem:$0x10330] =	vst v63  }
0x8f: {  	[tilespmem:$0x10130] =	vst v1  }
0x90: {  	v1 =	vld.idx.msk [tilespmem:v62+s2+$0x0], $0xffff  }
0x91: {  	v62 =	vor.u32 v53, v0;
	_ =	sdelay $0x1  }
0x92: {  	v63 =	vor.u32 s24, v20  }
0x93: {  	[tilespmem:$0x10340] =	vst v63  }
0x94: {  	[tilespmem:$0x10140] =	vst v1  }
0x95: {  	v1 =	vld.idx.msk [tilespmem:v62+s2+$0x0], $0xffff  }
0x96: {  	v62 =	vor.u32 v54, v0;
	_ =	sdelay $0x1  }
0x97: {  	v63 =	vor.u32 s24, v21  }
0x98: {  	[tilespmem:$0x10350] =	vst v63  }
0x99: {  	[tilespmem:$0x10150] =	vst v1  }
0x9a: {  	v1 =	vld.idx.msk [tilespmem:v62+s2+$0x0], $0xffff  }
0x9b: {  	v62 =	vor.u32 v55, v0;
	_ =	sdelay $0x1  }
0x9c: {  	v63 =	vor.u32 s24, v22  }
0x9d: {  	[tilespmem:$0x10360] =	vst v63  }
0x9e: {  	[tilespmem:$0x10160] =	vst v1  }
0x9f: {  	v1 =	vld.idx.msk [tilespmem:v62+s2+$0x0], $0xffff  }
0xa0: {  	v62 =	vor.u32 v56, v0;
	_ =	sdelay $0x1  }
0xa1: {  	v63 =	vor.u32 s24, v23  }
0xa2: {  	[tilespmem:$0x10370] =	vst v63  }
0xa3: {  	[tilespmem:$0x10170] =	vst v1  }
0xa4: {  	v1 =	vld.idx.msk [tilespmem:v62+s2+$0x0], $0xffff  }
0xa5: {  	v62 =	vor.u32 v57, v0;
	_ =	sdelay $0x1  }
0xa6: {  	v63 =	vor.u32 s24, v24  }
0xa7: {  	[tilespmem:$0x10380] =	vst v63  }
0xa8: {  	[tilespmem:$0x10180] =	vst v1  }
0xa9: {  	v1 =	vld.idx.msk [tilespmem:v62+s2+$0x0], $0xffff  }
0xaa: {  	v62 =	vor.u32 v58, v0;
	_ =	sdelay $0x1  }
0xab: {  	v63 =	vor.u32 s24, v25  }
0xac: {  	[tilespmem:$0x10390] =	vst v63  }
0xad: {  	[tilespmem:$0x10190] =	vst v1  }
0xae: {  	v1 =	vld.idx.msk [tilespmem:v62+s2+$0x0], $0xffff  }
0xaf: {  	v62 =	vor.u32 v59, v0;
	_ =	sdelay $0x1  }
0xb0: {  	v63 =	vor.u32 s24, v26  }
0xb1: {  	[tilespmem:$0x103A0] =	vst v63  }
0xb2: {  	[tilespmem:$0x101A0] =	vst v1  }
0xb3: {  	v1 =	vld.idx.msk [tilespmem:v62+s2+$0x0], $0xffff  }
0xb4: {  	v62 =	vor.u32 v60, v0;
	_ =	sdelay $0x1  }
0xb5: {  	v63 =	vor.u32 s24, v27  }
0xb6: {  	[tilespmem:$0x103B0] =	vst v63  }
0xb7: {  	[tilespmem:$0x101B0] =	vst v1  }
0xb8: {  	v1 =	vld.idx.msk [tilespmem:v62+s2+$0x0], $0xffff  }
0xb9: {  	v62 =	vor.u32 v61, v0;
	_ =	sdelay $0x1  }
0xba: {  	v63 =	vor.u32 s24, v29  }
0xbb: {  	[tilespmem:$0x103C0] =	vst v63  }
0xbc: {  	[tilespmem:$0x101C0] =	vst v1  }
0xbd: {  	v2 =	vld.idx.msk [tilespmem:v62+s2+$0x0], $0xffff;
	v62 =	vor.u32 $0xF000, v28  }
0xbe: {  	v63 =	vor.u32 v62, v0;
	_ =	sdelay $0x1  }
0xbf: {  	v1 =	vor.u32 s24, v30  }
0xc0: {  	[tilespmem:$0x103D0] =	vst v1  }
0xc1: {  	[tilespmem:$0x101D0] =	vst v2  }
0xc2: {  	v2 =	vld.idx.msk [tilespmem:v63+s2+$0x0], $0xffff;
	v63 =	vor.u32 $0xF800, v28  }
0xc3: {  	v0 =	vor.u32 v63, v0;
	_ =	sdelay $0x1  }
0xc4: {  	v1 =	vor.u32 s24, v31  }
0xc5: {  	[tilespmem:$0x103E0] =	vst v1  }
0xc6: {  	[tilespmem:$0x101E0] =	vst v2  }
0xc7: {  	v0 =	vld.idx.msk [tilespmem:v0+s2+$0x0], $0xffff;
	_ =	sdelay $0x2  }
0xc8: {  	v1 =	vor.u32 s24, v32  }
0xc9: {  	[tilespmem:$0x103F0] =	vst v1  }
0xca: {  	[tilespmem:$0x101F0] =	vst v0  }
0xcb: {  	[tilespmem:s10], [sflag:$0x1] =	stream.indirect.gather [hbm4b:s3+s8], $0x10, s9, s8, $0xb8;
	[tilespmem:$0x12400] =	vst v63  }
0xcc: {  	_ = 	snop  }
0xcd: {  	[tilespmem:s12], [sflag:$0x1] =	stream.indirect.gather [hbm4b:s3+s8], $0x10, s11, s8, $0xb8;
	[tilespmem:$0x12400] =	vst v63  }
0xce: {  	_ = 	snop  }
0xcf: {  	[tilespmem:s14], [sflag:$0x1] =	stream.indirect.gather [hbm4b:s3+s8], $0x10, s13, s8, $0xb8;
	[tilespmem:$0x12400] =	vst v63  }
0xd0: {  	_ = 	snop  }
0xd1: {  	[tilespmem:s16], [sflag:$0x1] =	stream.indirect.gather [hbm4b:s3+s8], $0x10, s15, s8, $0xb8;
	[tilespmem:$0x12400] =	vst v63  }
0xd2: {  	_ =	swait.ge [sflag:s17], $0x800  }
0xd3: {  	[sflag:s17] =	ssyncset.done $0x0  }
0xd4: {  	[sflag:s17] =	ssyncadd.s32 $0xFFFFF800  }
0xd5: {  	_ =	swait.ge [sflag:s17], $0x800  }
0xd6: {  	[sflag:s17] =	ssyncset.done $0x0  }
0xd7: {  	[sflag:s17] =	ssyncadd.s32 $0xFFFFF800  }
0xd8: {  	_ =	swait.ge [sflag:s17], $0x800  }
0xd9: {  	[sflag:s17] =	ssyncset.done $0x0  }
0xda: {  	[sflag:s17] =	ssyncadd.s32 $0xFFFFF800  }
0xdb: {  	_ =	swait.ge [sflag:s17], $0x800  }
0xdc: {  	[sflag:s17] =	ssyncset.done $0x0  }
0xdd: {  	[sflag:s17] =	ssyncadd.s32 $0xFFFFF800  }
0xde: {  	[hbm4b:s4+s8] =	stream.indirect.scatter [tilespmem:s10], [sflag:$0x2], $0x10, s18, s8, $0xb8;
	[tilespmem:$0x12400] =	vst v63  }
0xdf: {  	_ = 	snop  }
0xe0: {  	[hbm4b:s4+s8] =	stream.indirect.scatter [tilespmem:s12], [sflag:$0x2], $0x10, s19, s8, $0xb8;
	[tilespmem:$0x12400] =	vst v63  }
0xe1: {  	_ = 	snop  }
0xe2: {  	[hbm4b:s4+s8] =	stream.indirect.scatter [tilespmem:s14], [sflag:$0x2], $0x10, s20, s8, $0xb8;
	[tilespmem:$0x12400] =	vst v63  }
0xe3: {  	_ = 	snop  }
0xe4: {  	[hbm4b:s4+s8] =	stream.indirect.scatter [tilespmem:s16], [sflag:$0x2], $0x10, s21, s8, $0xb8;
	[tilespmem:$0x12400] =	vst v63  }
0xe5: {  	_ =	swait.ge [sflag:s22], $0x800  }
0xe6: {  	[sflag:s22] =	ssyncset.done $0x0  }
0xe7: {  	[sflag:s22] =	ssyncadd.s32 $0xFFFFF800  }
0xe8: {  	_ =	swait.ge [sflag:s22], $0x800  }
0xe9: {  	[sflag:s22] =	ssyncset.done $0x0  }
0xea: {  	s25 =	simm.s32 $0x1;
	[sflag:s22] =	ssyncadd.s32 $0xFFFFF800  }
0xeb: {  	v0 =	vmov s25;
	_ =	swait.ge [sflag:s22], $0x800  }
0xec: {  	v0 =	vand.u32 $0x1F, v0;
	[sflag:s22] =	ssyncset.done $0x0  }
0xed: {  	v0 =	vbroadcast v0, $0x0;
	[sflag:s22] =	ssyncadd.s32 $0xFFFFF800  }
0xee: {  	s29 =	simm.s32 $0x2;
	_ =	swait.ge [sflag:s22], $0x800  }
0xef: {  	s26 =	simm.s32 $0x0;
	s24 =	sadd.s32 $0x30D40, s3;
	v1 =	vor.u32 v28, v0;
	[sflag:s22] =	ssyncset.done $0x0  }
.LBB2_2:
0xf0: {  	_ =	sdelay $0x1  }
0xf1: {  	v3 =	vld [tilespmem:$0x1FFC0]  }
0xf2: {  	[sflag:s22] =	ssyncadd.s32 $0xFFFFF800  }
0xf3: {  	s26 =	sadd.s32 $0x4000, s26;
	s30 =	smov.u32 s29;
	s28 =	sadd.s32 $0x1, s29;
	v1 =	vld.idx.msk [tilespmem:v1+s2+$0x0], $0xffff  }
0xf4: {  	p0 =	sne.s32 s29, $0x19;
	s31 =	sand.u32 $0x7, s25;
	v2 =	vor.u32 v33, v0;
	s29 =	sand.u32 $0x60000, s26  }
0xf5: {  	s29 =	sor.u32 s31, s29  }
0xf6: {  	v3 =	vor.u32 s29, v3  }
0xf7: {  	[tilespmem:$0x10200] =	vst v3;
	v3 =	vld [tilespmem:$0x1FFD0]  }
0xf8: {  	[tilespmem:$0x10000] =	vst v1  }
0xf9: {  	v1 =	vld.idx.msk [tilespmem:v2+s2+$0x0], $0xffff  }
0xfa: {  	v2 =	vor.u32 v34, v0;
	_ =	sdelay $0x1  }
0xfb: {  	v3 =	vor.u32 s29, v3  }
0xfc: {  	[tilespmem:$0x10210] =	vst v3;
	v3 =	vld [tilespmem:$0x1FFE0]  }
0xfd: {  	[tilespmem:$0x10010] =	vst v1  }
0xfe: {  	v1 =	vld.idx.msk [tilespmem:v2+s2+$0x0], $0xffff  }
0xff: {  	v2 =	vor.u32 v35, v0;
	_ =	sdelay $0x1  }
0x100: {  	v3 =	vor.u32 s29, v3  }
0x101: {  	[tilespmem:$0x10220] =	vst v3;
	v3 =	vld [tilespmem:$0x1FFF0]  }
0x102: {  	[tilespmem:$0x10020] =	vst v1  }
0x103: {  	v1 =	vld.idx.msk [tilespmem:v2+s2+$0x0], $0xffff  }
0x104: {  	v2 =	vor.u32 v36, v0;
	_ =	sdelay $0x1  }
0x105: {  	v3 =	vor.u32 s29, v3  }
0x106: {  	[tilespmem:$0x10230] =	vst v3  }
0x107: {  	[tilespmem:$0x10030] =	vst v1  }
0x108: {  	v1 =	vld.idx.msk [tilespmem:v2+s2+$0x0], $0xffff  }
0x109: {  	v2 =	vor.u32 v37, v0;
	_ =	sdelay $0x1  }
0x10a: {  	v3 =	vor.u32 s29, v4  }
0x10b: {  	[tilespmem:$0x10240] =	vst v3  }
0x10c: {  	[tilespmem:$0x10040] =	vst v1  }
0x10d: {  	v1 =	vld.idx.msk [tilespmem:v2+s2+$0x0], $0xffff  }
0x10e: {  	v2 =	vor.u32 v38, v0;
	_ =	sdelay $0x1  }
0x10f: {  	v3 =	vor.u32 s29, v5  }
0x110: {  	[tilespmem:$0x10250] =	vst v3  }
0x111: {  	[tilespmem:$0x10050] =	vst v1  }
0x112: {  	v1 =	vld.idx.msk [tilespmem:v2+s2+$0x0], $0xffff  }
0x113: {  	v2 =	vor.u32 v39, v0;
	_ =	sdelay $0x1  }
0x114: {  	v3 =	vor.u32 s29, v6  }
0x115: {  	[tilespmem:$0x10260] =	vst v3  }
0x116: {  	[tilespmem:$0x10060] =	vst v1  }
0x117: {  	v1 =	vld.idx.msk [tilespmem:v2+s2+$0x0], $0xffff  }
0x118: {  	v2 =	vor.u32 v40, v0;
	_ =	sdelay $0x1  }
0x119: {  	v3 =	vor.u32 s29, v7  }
0x11a: {  	[tilespmem:$0x10270] =	vst v3  }
0x11b: {  	[tilespmem:$0x10070] =	vst v1  }
0x11c: {  	v1 =	vld.idx.msk [tilespmem:v2+s2+$0x0], $0xffff  }
0x11d: {  	v2 =	vor.u32 v41, v0;
	_ =	sdelay $0x1  }
0x11e: {  	v3 =	vor.u32 s29, v8  }
0x11f: {  	[tilespmem:$0x10280] =	vst v3  }
0x120: {  	[tilespmem:$0x10080] =	vst v1  }
0x121: {  	v1 =	vld.idx.msk [tilespmem:v2+s2+$0x0], $0xffff  }
0x122: {  	v2 =	vor.u32 v42, v0;
	_ =	sdelay $0x1  }
0x123: {  	v3 =	vor.u32 s29, v9  }
0x124: {  	[tilespmem:$0x10290] =	vst v3  }
0x125: {  	[tilespmem:$0x10090] =	vst v1  }
0x126: {  	v1 =	vld.idx.msk [tilespmem:v2+s2+$0x0], $0xffff  }
0x127: {  	v2 =	vor.u32 v43, v0;
	_ =	sdelay $0x1  }
0x128: {  	v3 =	vor.u32 s29, v10  }
0x129: {  	[tilespmem:$0x102A0] =	vst v3  }
0x12a: {  	[tilespmem:$0x100A0] =	vst v1  }
0x12b: {  	v1 =	vld.idx.msk [tilespmem:v2+s2+$0x0], $0xffff  }
0x12c: {  	v2 =	vor.u32 v44, v0;
	_ =	sdelay $0x1  }
0x12d: {  	v3 =	vor.u32 s29, v11  }
0x12e: {  	[tilespmem:$0x102B0] =	vst v3  }
0x12f: {  	[tilespmem:$0x100B0] =	vst v1  }
0x130: {  	v1 =	vld.idx.msk [tilespmem:v2+s2+$0x0], $0xffff  }
0x131: {  	v2 =	vor.u32 v45, v0;
	_ =	sdelay $0x1  }
0x132: {  	v3 =	vor.u32 s29, v12  }
0x133: {  	[tilespmem:$0x102C0] =	vst v3  }
0x134: {  	[tilespmem:$0x100C0] =	vst v1  }
0x135: {  	v1 =	vld.idx.msk [tilespmem:v2+s2+$0x0], $0xffff  }
0x136: {  	v2 =	vor.u32 v46, v0;
	_ =	sdelay $0x1  }
0x137: {  	v3 =	vor.u32 s29, v13  }
0x138: {  	[tilespmem:$0x102D0] =	vst v3  }
0x139: {  	[tilespmem:$0x100D0] =	vst v1  }
0x13a: {  	v1 =	vld.idx.msk [tilespmem:v2+s2+$0x0], $0xffff  }
0x13b: {  	v2 =	vor.u32 v47, v0;
	_ =	sdelay $0x1  }
0x13c: {  	v3 =	vor.u32 s29, v14  }
0x13d: {  	[tilespmem:$0x102E0] =	vst v3  }
0x13e: {  	[tilespmem:$0x100E0] =	vst v1  }
0x13f: {  	v1 =	vld.idx.msk [tilespmem:v2+s2+$0x0], $0xffff  }
0x140: {  	v2 =	vor.u32 v48, v0;
	_ =	sdelay $0x1  }
0x141: {  	v3 =	vor.u32 s29, v15  }
0x142: {  	[tilespmem:$0x102F0] =	vst v3  }
0x143: {  	[tilespmem:$0x100F0] =	vst v1  }
0x144: {  	v1 =	vld.idx.msk [tilespmem:v2+s2+$0x0], $0xffff  }
0x145: {  	v2 =	vor.u32 v49, v0;
	_ =	sdelay $0x1  }
0x146: {  	v3 =	vor.u32 s29, v16  }
0x147: {  	[tilespmem:$0x10300] =	vst v3  }
0x148: {  	[tilespmem:$0x10100] =	vst v1  }
0x149: {  	v1 =	vld.idx.msk [tilespmem:v2+s2+$0x0], $0xffff  }
0x14a: {  	v2 =	vor.u32 v50, v0;
	_ =	sdelay $0x1  }
0x14b: {  	v3 =	vor.u32 s29, v17  }
0x14c: {  	[tilespmem:$0x10310] =	vst v3  }
0x14d: {  	[tilespmem:$0x10110] =	vst v1  }
0x14e: {  	v1 =	vld.idx.msk [tilespmem:v2+s2+$0x0], $0xffff;
	v2 =	vor.u32 s29, v18  }
0x14f: {  	[tilespmem:$0x10320] =	vst v2;
	v2 =	vor.u32 v51, v0;
	_ =	sdelay $0x3  }
0x150: {  	[tilespmem:$0x10120] =	vst v1  }
0x151: {  	v1 =	vld.idx.msk [tilespmem:v2+s2+$0x0], $0xffff;
	v2 =	vor.u32 s29, v19  }
0x152: {  	[tilespmem:$0x10330] =	vst v2;
	v2 =	vor.u32 v52, v0;
	_ =	sdelay $0x3  }
0x153: {  	[tilespmem:$0x10130] =	vst v1  }
0x154: {  	v1 =	vld.idx.msk [tilespmem:v2+s2+$0x0], $0xffff;
	v2 =	vor.u32 s29, v20  }
0x155: {  	[tilespmem:$0x10340] =	vst v2;
	v2 =	vor.u32 v53, v0;
	_ =	sdelay $0x3  }
0x156: {  	[tilespmem:$0x10140] =	vst v1  }
0x157: {  	v1 =	vld.idx.msk [tilespmem:v2+s2+$0x0], $0xffff;
	v2 =	vor.u32 s29, v21  }
0x158: {  	[tilespmem:$0x10350] =	vst v2;
	v2 =	vor.u32 v54, v0;
	_ =	sdelay $0x3  }
0x159: {  	[tilespmem:$0x10150] =	vst v1  }
0x15a: {  	v1 =	vld.idx.msk [tilespmem:v2+s2+$0x0], $0xffff;
	v2 =	vor.u32 s29, v22  }
0x15b: {  	[tilespmem:$0x10360] =	vst v2;
	v2 =	vor.u32 v55, v0;
	_ =	sdelay $0x3  }
0x15c: {  	[tilespmem:$0x10160] =	vst v1  }
0x15d: {  	v1 =	vld.idx.msk [tilespmem:v2+s2+$0x0], $0xffff;
	v2 =	vor.u32 s29, v23  }
0x15e: {  	[tilespmem:$0x10370] =	vst v2;
	v2 =	vor.u32 v56, v0;
	_ =	sdelay $0x3  }
0x15f: {  	[tilespmem:$0x10170] =	vst v1  }
0x160: {  	v1 =	vld.idx.msk [tilespmem:v2+s2+$0x0], $0xffff;
	v2 =	vor.u32 s29, v24  }
0x161: {  	[tilespmem:$0x10380] =	vst v2;
	v2 =	vor.u32 v57, v0;
	_ =	sdelay $0x3  }
0x162: {  	[tilespmem:$0x10180] =	vst v1  }
0x163: {  	v1 =	vld.idx.msk [tilespmem:v2+s2+$0x0], $0xffff;
	v2 =	vor.u32 s29, v25  }
0x164: {  	[tilespmem:$0x10390] =	vst v2;
	v2 =	vor.u32 v58, v0;
	_ =	sdelay $0x3  }
0x165: {  	[tilespmem:$0x10190] =	vst v1  }
0x166: {  	v1 =	vld.idx.msk [tilespmem:v2+s2+$0x0], $0xffff;
	v2 =	vor.u32 s29, v26  }
0x167: {  	[tilespmem:$0x103A0] =	vst v2;
	v2 =	vor.u32 v59, v0;
	_ =	sdelay $0x3  }
0x168: {  	[tilespmem:$0x101A0] =	vst v1  }
0x169: {  	v1 =	vld.idx.msk [tilespmem:v2+s2+$0x0], $0xffff;
	v2 =	vor.u32 s29, v27  }
0x16a: {  	[tilespmem:$0x103B0] =	vst v2;
	v2 =	vor.u32 v60, v0;
	_ =	sdelay $0x3  }
0x16b: {  	[tilespmem:$0x101B0] =	vst v1  }
0x16c: {  	v1 =	vld.idx.msk [tilespmem:v2+s2+$0x0], $0xffff;
	v2 =	vor.u32 s29, v29  }
0x16d: {  	[tilespmem:$0x103C0] =	vst v2;
	v2 =	vor.u32 v61, v0;
	_ =	sdelay $0x3  }
0x16e: {  	[tilespmem:$0x101C0] =	vst v1  }
0x16f: {  	v1 =	vld.idx.msk [tilespmem:v2+s2+$0x0], $0xffff;
	v2 =	vor.u32 s29, v30  }
0x170: {  	[tilespmem:$0x103D0] =	vst v2;
	v2 =	vor.u32 v62, v0;
	_ =	sdelay $0x3  }
0x171: {  	[tilespmem:$0x101D0] =	vst v1  }
0x172: {  	v1 =	vld.idx.msk [tilespmem:v2+s2+$0x0], $0xffff  }
0x173: {  	v0 =	vor.u32 v63, v0;
	_ =	sdelay $0x1  }
0x174: {  	v2 =	vor.u32 s29, v31  }
0x175: {  	[tilespmem:$0x103E0] =	vst v2  }
0x176: {  	[tilespmem:$0x101E0] =	vst v1  }
0x177: {  	v0 =	vld.idx.msk [tilespmem:v0+s2+$0x0], $0xffff;
	_ =	sdelay $0x2  }
0x178: {  	v1 =	vor.u32 s29, v32  }
0x179: {  	[tilespmem:$0x103F0] =	vst v1  }
0x17a: {  	[tilespmem:$0x101F0] =	vst v0  }
0x17b: {  	[tilespmem:s10], [sflag:$0x1] =	stream.indirect.gather [hbm4b:s24+s8], $0x10, s9, s8, $0xb8;
	[tilespmem:$0x12400] =	vst v63  }
0x17c: {  	_ = 	snop  }
0x17d: {  	[tilespmem:s12], [sflag:$0x1] =	stream.indirect.gather [hbm4b:s24+s8], $0x10, s11, s8, $0xb8;
	[tilespmem:$0x12400] =	vst v63  }
0x17e: {  	_ = 	snop  }
0x17f: {  	[tilespmem:s14], [sflag:$0x1] =	stream.indirect.gather [hbm4b:s24+s8], $0x10, s13, s8, $0xb8;
	[tilespmem:$0x12400] =	vst v63  }
0x180: {  	_ = 	snop  }
0x181: {  	[tilespmem:s16], [sflag:$0x1] =	stream.indirect.gather [hbm4b:s24+s8], $0x10, s15, s8, $0xb8;
	[tilespmem:$0x12400] =	vst v63  }
0x182: {  	_ =	swait.ge [sflag:s17], $0x800  }
0x183: {  	[sflag:s17] =	ssyncset.done $0x0  }
0x184: {  	[sflag:s17] =	ssyncadd.s32 $0xFFFFF800  }
0x185: {  	_ =	swait.ge [sflag:s17], $0x800  }
0x186: {  	[sflag:s17] =	ssyncset.done $0x0  }
0x187: {  	[sflag:s17] =	ssyncadd.s32 $0xFFFFF800  }
0x188: {  	_ =	swait.ge [sflag:s17], $0x800  }
0x189: {  	[sflag:s17] =	ssyncset.done $0x0  }
0x18a: {  	[sflag:s17] =	ssyncadd.s32 $0xFFFFF800  }
0x18b: {  	_ =	swait.ge [sflag:s17], $0x800  }
0x18c: {  	[sflag:s17] =	ssyncset.done $0x0  }
0x18d: {  	[sflag:s17] =	ssyncadd.s32 $0xFFFFF800  }
0x18e: {  	[hbm4b:s4+s8] =	stream.indirect.scatter [tilespmem:s10], [sflag:$0x2], $0x10, s18, s8, $0xb8;
	[tilespmem:$0x12400] =	vst v63  }
0x18f: {  	_ = 	snop  }
0x190: {  	[hbm4b:s4+s8] =	stream.indirect.scatter [tilespmem:s12], [sflag:$0x2], $0x10, s19, s8, $0xb8;
	[tilespmem:$0x12400] =	vst v63  }
0x191: {  	_ = 	snop  }
0x192: {  	[hbm4b:s4+s8] =	stream.indirect.scatter [tilespmem:s14], [sflag:$0x2], $0x10, s20, s8, $0xb8;
	[tilespmem:$0x12400] =	vst v63  }
0x193: {  	_ = 	snop  }
0x194: {  	[hbm4b:s4+s8] =	stream.indirect.scatter [tilespmem:s16], [sflag:$0x2], $0x10, s21, s8, $0xb8;
	[tilespmem:$0x12400] =	vst v63  }
0x195: {  	_ =	swait.ge [sflag:s22], $0x800  }
0x196: {  	[sflag:s22] =	ssyncset.done $0x0  }
0x197: {  	[sflag:s22] =	ssyncadd.s32 $0xFFFFF800  }
0x198: {  	_ =	swait.ge [sflag:s22], $0x800  }
0x199: {  	[sflag:s22] =	ssyncset.done $0x0  }
0x19a: {  	s25 =	smov.u32 s30;
	[sflag:s22] =	ssyncadd.s32 $0xFFFFF800  }
.Ltmp0:
0x19b: {  	v0 =	vmov s25;
	_ =	swait.ge [sflag:s22], $0x800;
	(pc) =	sbr.rel @p0 .LBB2_2-.Ltmp0, $4  }
0x19c: {  	v0 =	vand.u32 $0x1F, v0;
	[sflag:s22] =	ssyncset.done $0x0  }
0x19d: {  	v0 =	vbroadcast v0, $0x0;
	[sflag:s22] =	ssyncadd.s32 $0xFFFFF800  }
0x19e: {  	_ =	swait.ge [sflag:s22], $0x800  }
0x19f: {  	s29 =	smov.u32 s28;
	v1 =	vor.u32 v28, v0;
	s24 =	sadd.s32 $0x30D40, s24;
	[sflag:s22] =	ssyncset.done $0x0  }
0x1a0: {  	_ =	sdelay $0x1  }
0x1a1: {  	v3 =	vld [tilespmem:$0x1FFC0]  }
0x1a2: {  	[sflag:s22] =	ssyncadd.s32 $0xFFFFF800  }
0x1a3: {  	s26 =	sadd.s32 $0x4000, s26;
	v1 =	vld.idx.msk [tilespmem:v1+s2+$0x0], $0xffff  }
0x1a4: {  	s25 =	sand.u32 $0x7, s25;
	v2 =	vor.u32 v33, v0;
	s26 =	sand.u32 $0x60000, s26  }
0x1a5: {  	s25 =	sor.u32 s25, s26  }
0x1a6: {  	v3 =	vor.u32 s25, v3  }
0x1a7: {  	[tilespmem:$0x10200] =	vst v3;
	v3 =	vld [tilespmem:$0x1FFD0]  }
0x1a8: {  	[tilespmem:$0x10000] =	vst v1  }
0x1a9: {  	v1 =	vld.idx.msk [tilespmem:v2+s2+$0x0], $0xffff  }
0x1aa: {  	v2 =	vor.u32 v34, v0;
	_ =	sdelay $0x1  }
0x1ab: {  	v3 =	vor.u32 s25, v3  }
0x1ac: {  	[tilespmem:$0x10210] =	vst v3;
	v3 =	vld [tilespmem:$0x1FFE0]  }
0x1ad: {  	[tilespmem:$0x10010] =	vst v1  }
0x1ae: {  	v1 =	vld.idx.msk [tilespmem:v2+s2+$0x0], $0xffff  }
0x1af: {  	v2 =	vor.u32 v35, v0;
	_ =	sdelay $0x1  }
0x1b0: {  	v3 =	vor.u32 s25, v3  }
0x1b1: {  	[tilespmem:$0x10220] =	vst v3;
	v3 =	vld [tilespmem:$0x1FFF0]  }
0x1b2: {  	[tilespmem:$0x10020] =	vst v1  }
0x1b3: {  	v1 =	vld.idx.msk [tilespmem:v2+s2+$0x0], $0xffff  }
0x1b4: {  	v2 =	vor.u32 v36, v0;
	_ =	sdelay $0x1  }
0x1b5: {  	v3 =	vor.u32 s25, v3  }
0x1b6: {  	[tilespmem:$0x10230] =	vst v3  }
0x1b7: {  	[tilespmem:$0x10030] =	vst v1  }
0x1b8: {  	v1 =	vld.idx.msk [tilespmem:v2+s2+$0x0], $0xffff  }
0x1b9: {  	v2 =	vor.u32 v37, v0;
	_ =	sdelay $0x1  }
0x1ba: {  	v3 =	vor.u32 s25, v4  }
0x1bb: {  	[tilespmem:$0x10240] =	vst v3  }
0x1bc: {  	[tilespmem:$0x10040] =	vst v1  }
0x1bd: {  	v1 =	vld.idx.msk [tilespmem:v2+s2+$0x0], $0xffff  }
0x1be: {  	v2 =	vor.u32 v38, v0;
	_ =	sdelay $0x1  }
0x1bf: {  	v3 =	vor.u32 s25, v5  }
0x1c0: {  	[tilespmem:$0x10250] =	vst v3  }
0x1c1: {  	[tilespmem:$0x10050] =	vst v1  }
0x1c2: {  	v1 =	vld.idx.msk [tilespmem:v2+s2+$0x0], $0xffff  }
0x1c3: {  	v2 =	vor.u32 v39, v0;
	_ =	sdelay $0x1  }
0x1c4: {  	v3 =	vor.u32 s25, v6  }
0x1c5: {  	[tilespmem:$0x10260] =	vst v3  }
0x1c6: {  	[tilespmem:$0x10060] =	vst v1  }
0x1c7: {  	v1 =	vld.idx.msk [tilespmem:v2+s2+$0x0], $0xffff  }
0x1c8: {  	v2 =	vor.u32 v40, v0;
	_ =	sdelay $0x1  }
0x1c9: {  	v3 =	vor.u32 s25, v7  }
0x1ca: {  	[tilespmem:$0x10270] =	vst v3  }
0x1cb: {  	[tilespmem:$0x10070] =	vst v1  }
0x1cc: {  	v1 =	vld.idx.msk [tilespmem:v2+s2+$0x0], $0xffff  }
0x1cd: {  	v2 =	vor.u32 v41, v0;
	_ =	sdelay $0x1  }
0x1ce: {  	v3 =	vor.u32 s25, v8  }
0x1cf: {  	[tilespmem:$0x10280] =	vst v3  }
0x1d0: {  	[tilespmem:$0x10080] =	vst v1  }
0x1d1: {  	v1 =	vld.idx.msk [tilespmem:v2+s2+$0x0], $0xffff  }
0x1d2: {  	v2 =	vor.u32 v42, v0;
	_ =	sdelay $0x1  }
0x1d3: {  	v3 =	vor.u32 s25, v9  }
0x1d4: {  	[tilespmem:$0x10290] =	vst v3  }
0x1d5: {  	[tilespmem:$0x10090] =	vst v1  }
0x1d6: {  	v1 =	vld.idx.msk [tilespmem:v2+s2+$0x0], $0xffff  }
0x1d7: {  	v2 =	vor.u32 v43, v0;
	_ =	sdelay $0x1  }
0x1d8: {  	v3 =	vor.u32 s25, v10  }
0x1d9: {  	[tilespmem:$0x102A0] =	vst v3  }
0x1da: {  	[tilespmem:$0x100A0] =	vst v1  }
0x1db: {  	v1 =	vld.idx.msk [tilespmem:v2+s2+$0x0], $0xffff  }
0x1dc: {  	v2 =	vor.u32 v44, v0;
	_ =	sdelay $0x1  }
0x1dd: {  	v3 =	vor.u32 s25, v11  }
0x1de: {  	[tilespmem:$0x102B0] =	vst v3  }
0x1df: {  	[tilespmem:$0x100B0] =	vst v1  }
0x1e0: {  	v1 =	vld.idx.msk [tilespmem:v2+s2+$0x0], $0xffff  }
0x1e1: {  	v2 =	vor.u32 v45, v0;
	_ =	sdelay $0x1  }
0x1e2: {  	v3 =	vor.u32 s25, v12  }
0x1e3: {  	[tilespmem:$0x102C0] =	vst v3  }
0x1e4: {  	[tilespmem:$0x100C0] =	vst v1  }
0x1e5: {  	v1 =	vld.idx.msk [tilespmem:v2+s2+$0x0], $0xffff  }
0x1e6: {  	v2 =	vor.u32 v46, v0;
	_ =	sdelay $0x1  }
0x1e7: {  	v3 =	vor.u32 s25, v13  }
0x1e8: {  	[tilespmem:$0x102D0] =	vst v3  }
0x1e9: {  	[tilespmem:$0x100D0] =	vst v1  }
0x1ea: {  	v1 =	vld.idx.msk [tilespmem:v2+s2+$0x0], $0xffff  }
0x1eb: {  	v2 =	vor.u32 v47, v0;
	_ =	sdelay $0x1  }
0x1ec: {  	v3 =	vor.u32 s25, v14  }
0x1ed: {  	[tilespmem:$0x102E0] =	vst v3  }
0x1ee: {  	[tilespmem:$0x100E0] =	vst v1  }
0x1ef: {  	v1 =	vld.idx.msk [tilespmem:v2+s2+$0x0], $0xffff  }
0x1f0: {  	v2 =	vor.u32 v48, v0;
	_ =	sdelay $0x1  }
0x1f1: {  	v3 =	vor.u32 s25, v15  }
0x1f2: {  	[tilespmem:$0x102F0] =	vst v3  }
0x1f3: {  	[tilespmem:$0x100F0] =	vst v1  }
0x1f4: {  	v1 =	vld.idx.msk [tilespmem:v2+s2+$0x0], $0xffff  }
0x1f5: {  	v2 =	vor.u32 v49, v0;
	_ =	sdelay $0x1  }
0x1f6: {  	v3 =	vor.u32 s25, v16  }
0x1f7: {  	[tilespmem:$0x10300] =	vst v3  }
0x1f8: {  	[tilespmem:$0x10100] =	vst v1  }
0x1f9: {  	v1 =	vld.idx.msk [tilespmem:v2+s2+$0x0], $0xffff  }
0x1fa: {  	v2 =	vor.u32 v50, v0;
	_ =	sdelay $0x1  }
0x1fb: {  	v3 =	vor.u32 s25, v17  }
0x1fc: {  	[tilespmem:$0x10310] =	vst v3  }
0x1fd: {  	[tilespmem:$0x10110] =	vst v1  }
0x1fe: {  	v1 =	vld.idx.msk [tilespmem:v2+s2+$0x0], $0xffff  }
0x1ff: {  	v2 =	vor.u32 v51, v0;
	_ =	sdelay $0x1  }
0x200: {  	v3 =	vor.u32 s25, v18  }
0x201: {  	[tilespmem:$0x10320] =	vst v3  }
0x202: {  	[tilespmem:$0x10120] =	vst v1  }
0x203: {  	v1 =	vld.idx.msk [tilespmem:v2+s2+$0x0], $0xffff  }
0x204: {  	v2 =	vor.u32 v52, v0;
	_ =	sdelay $0x1  }
0x205: {  	v3 =	vor.u32 s25, v19  }
0x206: {  	[tilespmem:$0x10330] =	vst v3  }
0x207: {  	[tilespmem:$0x10130] =	vst v1  }
0x208: {  	v1 =	vld.idx.msk [tilespmem:v2+s2+$0x0], $0xffff  }
0x209: {  	v2 =	vor.u32 v53, v0;
	_ =	sdelay $0x1  }
0x20a: {  	v3 =	vor.u32 s25, v20  }
0x20b: {  	[tilespmem:$0x10340] =	vst v3  }
0x20c: {  	[tilespmem:$0x10140] =	vst v1  }
0x20d: {  	v1 =	vld.idx.msk [tilespmem:v2+s2+$0x0], $0xffff  }
0x20e: {  	v2 =	vor.u32 v54, v0;
	_ =	sdelay $0x1  }
0x20f: {  	v3 =	vor.u32 s25, v21  }
0x210: {  	[tilespmem:$0x10350] =	vst v3  }
0x211: {  	[tilespmem:$0x10150] =	vst v1  }
0x212: {  	v1 =	vld.idx.msk [tilespmem:v2+s2+$0x0], $0xffff  }
0x213: {  	v2 =	vor.u32 v55, v0;
	_ =	sdelay $0x1  }
0x214: {  	v3 =	vor.u32 s25, v22  }
0x215: {  	[tilespmem:$0x10360] =	vst v3  }
0x216: {  	[tilespmem:$0x10160] =	vst v1  }
0x217: {  	v1 =	vld.idx.msk [tilespmem:v2+s2+$0x0], $0xffff  }
0x218: {  	v2 =	vor.u32 v56, v0;
	_ =	sdelay $0x1  }
0x219: {  	v3 =	vor.u32 s25, v23  }
0x21a: {  	[tilespmem:$0x10370] =	vst v3  }
0x21b: {  	[tilespmem:$0x10170] =	vst v1  }
0x21c: {  	v1 =	vld.idx.msk [tilespmem:v2+s2+$0x0], $0xffff  }
0x21d: {  	v2 =	vor.u32 v57, v0;
	_ =	sdelay $0x1  }
0x21e: {  	v3 =	vor.u32 s25, v24  }
0x21f: {  	[tilespmem:$0x10380] =	vst v3  }
0x220: {  	[tilespmem:$0x10180] =	vst v1  }
0x221: {  	v1 =	vld.idx.msk [tilespmem:v2+s2+$0x0], $0xffff  }
0x222: {  	v2 =	vor.u32 v58, v0;
	_ =	sdelay $0x1  }
0x223: {  	v3 =	vor.u32 s25, v25  }
0x224: {  	[tilespmem:$0x10390] =	vst v3  }
0x225: {  	[tilespmem:$0x10190] =	vst v1  }
0x226: {  	v1 =	vld.idx.msk [tilespmem:v2+s2+$0x0], $0xffff  }
0x227: {  	v2 =	vor.u32 v59, v0;
	_ =	sdelay $0x1  }
0x228: {  	v3 =	vor.u32 s25, v26  }
0x229: {  	[tilespmem:$0x103A0] =	vst v3  }
0x22a: {  	[tilespmem:$0x101A0] =	vst v1  }
0x22b: {  	v1 =	vld.idx.msk [tilespmem:v2+s2+$0x0], $0xffff  }
0x22c: {  	v2 =	vor.u32 v60, v0;
	_ =	sdelay $0x1  }
0x22d: {  	v3 =	vor.u32 s25, v27  }
0x22e: {  	[tilespmem:$0x103B0] =	vst v3  }
0x22f: {  	[tilespmem:$0x101B0] =	vst v1  }
0x230: {  	v1 =	vld.idx.msk [tilespmem:v2+s2+$0x0], $0xffff  }
0x231: {  	v2 =	vor.u32 v61, v0;
	_ =	sdelay $0x1  }
0x232: {  	v3 =	vor.u32 s25, v29  }
0x233: {  	[tilespmem:$0x103C0] =	vst v3  }
0x234: {  	[tilespmem:$0x101C0] =	vst v1  }
0x235: {  	v1 =	vld.idx.msk [tilespmem:v2+s2+$0x0], $0xffff  }
0x236: {  	v62 =	vor.u32 v62, v0;
	_ =	sdelay $0x1  }
0x237: {  	v3 =	vor.u32 s25, v30  }
0x238: {  	[tilespmem:$0x103D0] =	vst v3  }
0x239: {  	[tilespmem:$0x101D0] =	vst v1  }
0x23a: {  	v1 =	vld.idx.msk [tilespmem:v62+s2+$0x0], $0xffff  }
0x23b: {  	v63 =	vor.u32 v63, v0;
	_ =	sdelay $0x1  }
0x23c: {  	v62 =	vor.u32 s25, v31  }
0x23d: {  	[tilespmem:$0x103E0] =	vst v62  }
0x23e: {  	[tilespmem:$0x101E0] =	vst v1  }
0x23f: {  	v0 =	vld.idx.msk [tilespmem:v63+s2+$0x0], $0xffff;
	_ =	sdelay $0x2  }
0x240: {  	v63 =	vor.u32 s25, v32  }
0x241: {  	[tilespmem:$0x103F0] =	vst v63  }
0x242: {  	[tilespmem:$0x101F0] =	vst v0  }
0x243: {  	[tilespmem:s10], [sflag:$0x1] =	stream.indirect.gather [hbm4b:s24+s8], $0x10, s9, s8, $0xb8;
	[tilespmem:$0x12400] =	vst v63  }
0x244: {  	_ = 	snop  }
0x245: {  	[tilespmem:s12], [sflag:$0x1] =	stream.indirect.gather [hbm4b:s24+s8], $0x10, s11, s8, $0xb8;
	[tilespmem:$0x12400] =	vst v63  }
0x246: {  	_ = 	snop  }
0x247: {  	[tilespmem:s14], [sflag:$0x1] =	stream.indirect.gather [hbm4b:s24+s8], $0x10, s13, s8, $0xb8;
	[tilespmem:$0x12400] =	vst v63  }
0x248: {  	_ = 	snop  }
0x249: {  	[tilespmem:s16], [sflag:$0x1] =	stream.indirect.gather [hbm4b:s24+s8], $0x10, s15, s8, $0xb8;
	[tilespmem:$0x12400] =	vst v63  }
0x24a: {  	_ =	swait.ge [sflag:s17], $0x800  }
0x24b: {  	[sflag:s17] =	ssyncset.done $0x0  }
0x24c: {  	[sflag:s17] =	ssyncadd.s32 $0xFFFFF800  }
0x24d: {  	_ =	swait.ge [sflag:s17], $0x800  }
0x24e: {  	[sflag:s17] =	ssyncset.done $0x0  }
0x24f: {  	[sflag:s17] =	ssyncadd.s32 $0xFFFFF800  }
0x250: {  	_ =	swait.ge [sflag:s17], $0x800  }
0x251: {  	[sflag:s17] =	ssyncset.done $0x0  }
0x252: {  	[sflag:s17] =	ssyncadd.s32 $0xFFFFF800  }
0x253: {  	_ =	swait.ge [sflag:s17], $0x800  }
0x254: {  	[sflag:s17] =	ssyncset.done $0x0  }
0x255: {  	[sflag:s17] =	ssyncadd.s32 $0xFFFFF800  }
0x256: {  	[hbm4b:s4+s8] =	stream.indirect.scatter [tilespmem:s10], [sflag:$0x2], $0x10, s18, s8, $0xb8;
	[tilespmem:$0x12400] =	vst v63  }
0x257: {  	_ = 	snop  }
0x258: {  	[hbm4b:s4+s8] =	stream.indirect.scatter [tilespmem:s12], [sflag:$0x2], $0x10, s19, s8, $0xb8;
	[tilespmem:$0x12400] =	vst v63  }
0x259: {  	_ = 	snop  }
0x25a: {  	[hbm4b:s4+s8] =	stream.indirect.scatter [tilespmem:s14], [sflag:$0x2], $0x10, s20, s8, $0xb8;
	[tilespmem:$0x12400] =	vst v63  }
0x25b: {  	_ = 	snop  }
0x25c: {  	[hbm4b:s4+s8] =	stream.indirect.scatter [tilespmem:s16], [sflag:$0x2], $0x10, s21, s8, $0xb8;
	[tilespmem:$0x12400] =	vst v63  }
0x25d: {  	_ =	swait.ge [sflag:s22], $0x800  }
0x25e: {  	[sflag:s22] =	ssyncset.done $0x0  }
0x25f: {  	[sflag:s22] =	ssyncadd.s32 $0xFFFFF800  }
0x260: {  	_ =	swait.ge [sflag:s22], $0x800  }
0x261: {  	[sflag:s22] =	ssyncset.done $0x0  }
0x262: {  	s23 =	sadd.s32 $0x1, s23;
	[sflag:s22] =	ssyncadd.s32 $0xFFFFF800  }
0x263: {  	p0 =	sne.s32 s23, s6;
	_ =	swait.ge [sflag:s22], $0x800  }
.Ltmp1:
0x264: {  	[sflag:s22] =	ssyncset.done $0x0;
	(pc) =	sbr.rel @p0 .LBB2_1-.Ltmp1, $4  }
0x265: {  	[sflag:s22] =	ssyncadd.s32 $0xFFFFF800  }
0x266: {  	_ =	swait.ge [sflag:s22], $0x800  }
0x267: {  	[sflag:s22] =	ssyncset.done $0x0  }
0x268: {  	[sflag:s22] =	ssyncadd.s32 $0xFFFFF800  }
0x269: {  	_ =	sfence.sel $0x180000  }
0x26a: {  	[bflag:$0x0] =	sbarrier.arrive $0xFFFF  }
0x26b: {  	p0 =	sne.s32 s0, $0x0;
	_ =	strace $0x90000047  }
0x26c: {  	s0 =	sadd.s32 @!p0 $0x100000, s1;
	[bflag:$0x2] =	sbarrier.arrive $0xFFFF  }
0x26d: {  	[sflag:s0] =	ssyncadd.tile.s32 @!p0 $0x1;
	_ =	shalt  }
.Lfunc_end2:
_tile_overlayer_lowered:
.L_overlay_start_2:
0x26e: {  	(tag) =	ssettag $0x2  }
0x26f: {  	s0 =	rddreg [dreg:$0x0];
	s2 =	stileid.u32  }
0x270: {  	s1 =	rddreg [dreg:$0x1];
	p0 =	sne.s32 s2, $0x0  }
0x271: {  	s3 =	rddreg [dreg:$0x2];
	[bflag:$0x3] =	sbarrier.arrive $0xFFFF;
	s2 =	simm.s32 @!p0 $0x1C03  }
0x272: {  	[timem:s3], [sflag:s2] =	dma.local @!p0 [hbm:s0], s1  }
0x273: {  	s0 =	simm.s32 @!p0 $0x3  }
0x274: {  	_ =	swait.ge @!p0 [sflag:s0], s1  }
0x275: {  	s1 =	ssub.s32 @!p0 $0x0, s1;
	[sflag:s0] =	ssyncset.done @!p0 $0x0  }
0x276: {  	[sflag:s0] =	ssyncadd.s32 @!p0 s1  }
0x277: {  	[bflag:$0x3] =	sbarrier.arrive $0xFFFF  }
0x278: {  	_ =	shalt  }

</sc_bundles>
